<compile_context>
chip_gen: v7x
topology: tpu7x:2x2x1
jax: 0.10.2.dev20260603
libtpu: 0.0.44.dev20260713+nightly
codegen_flags: <defaults>
</compile_context>

<pallas_src>
import functools

import jax
import jax.numpy as jnp
from jax import lax
from jax.experimental import pallas as pl
from jax.experimental.pallas import tpu as pltpu
from jax.experimental.pallas import tpu_sc as plsc

N = 10000
E = 160000
F_IN = 256
H = 16
C = 40

NC = 2
NS = 16
NW = NC * NS
N_PAD = 10240
SLAB = N_PAD // NS
EPT = E // NW

_f32 = jnp.float32


def _sds(shape):
    return jax.ShapeDtypeStruct(shape, _f32)



_sc_mesh = plsc.VectorSubcoreMesh(core_axis_name="c", subcore_axis_name="s")
_sc_params = pltpu.CompilerParams(use_tc_tiling_on_sc=False)


@functools.partial(
    pl.kernel,
    out_type=[_sds((N_PAD, H)), _sds((N_PAD, H))],
    mesh=_sc_mesh,
    compiler_params=_sc_params,
    scratch_types=[
        pltpu.VMEM((EPT,), jnp.int32),
        pltpu.VMEM((EPT,), jnp.int32),
        pltpu.VMEM((EPT, H), _f32),
        pltpu.VMEM((SLAB, H), _f32),
        pltpu.VMEM_SHARED((N_PAD, H), _f32),
        pltpu.VMEM_SHARED((N_PAD, H), _f32),
        pltpu.SemaphoreType.DMA,
        pltpu.SemaphoreType.DMA,
        pltpu.SemaphoreType.DMA,
    ],
)
def _sc_segsum(p_hbm, src_hbm, dst_hbm, out0, out1, idx_s, idx_d, rows, slab,
               acc_sh, tbl_sh, sem, sem_is, sem_id):
    c = lax.axis_index("c")
    s = lax.axis_index("s")
    wid = c * NS + s
    ebase = wid * EPT
    rbase = s * SLAB

    ic_s = pltpu.async_copy(src_hbm.at[pl.ds(ebase, EPT)], idx_s, sem_is)
    ic_d = pltpu.async_copy(dst_hbm.at[pl.ds(ebase, EPT)], idx_d, sem_id)

    pltpu.sync_copy(p_hbm.at[pl.ds(rbase, SLAB)], slab)
    pltpu.sync_copy(slab, tbl_sh.at[pl.ds(rbase, SLAB)])

    @pl.when(c == 0)
    def _():
        pltpu.sync_copy(slab, acc_sh.at[pl.ds(rbase, SLAB)])

    @pl.when(c != 0)
    def _():
        zero = jnp.zeros((H,), _f32)

        def zbody(i, carry):
            slab[i, :] = zero
            return carry

        lax.fori_loop(0, SLAB, zbody, 0)
        pltpu.sync_copy(slab, acc_sh.at[pl.ds(rbase, SLAB)])

    ic_s.wait()
    ic_d.wait()
    plsc.subcore_barrier()

    pltpu.async_copy(tbl_sh.at[idx_s], rows, sem).wait()
    pltpu.sync_copy(rows, acc_sh.at[idx_d], add=True)
    plsc.subcore_barrier()

    pltpu.sync_copy(acc_sh.at[pl.ds(rbase, SLAB)], slab)

    @pl.when(c == 0)
    def _():
        pltpu.sync_copy(slab, out0.at[pl.ds(rbase, SLAB)])

    @pl.when(c != 0)
    def _():
        pltpu.sync_copy(slab, out1.at[pl.ds(rbase, SLAB)])


_ER = E // 8


@functools.partial(
    pl.kernel,
    out_type=[_sds((_ER, 8 * H)), _sds((_ER, 8 * H))],
    mesh=_sc_mesh,
    compiler_params=_sc_params,
    scratch_types=[
        pltpu.VMEM((EPT,), jnp.int32),
        pltpu.VMEM((EPT,), jnp.int32),
        pltpu.VMEM((EPT, H), _f32),
        pltpu.VMEM((N_PAD // NS, H), _f32),
        pltpu.VMEM_SHARED((N_PAD, H), _f32),
        pltpu.VMEM_SHARED((N_PAD, H), _f32),
        pltpu.SemaphoreType.DMA,
    ],
)
def _sc_edge_gather(a_hbm, b_hbm, src_hbm, dst_hbm, out_a, out_b, idx_s,
                    idx_d, rows, slab, tbl_a, tbl_b, sem):
    c = lax.axis_index("c")
    s = lax.axis_index("s")
    wid = c * NS + s
    ebase = wid * EPT
    jl = wid // 4
    rows_sl = pl.ds((wid % 4) * EPT, EPT)

    pltpu.sync_copy(src_hbm.at[pl.ds(ebase, EPT)], idx_s)
    pltpu.sync_copy(dst_hbm.at[pl.ds(ebase, EPT)], idx_d)

    srows = pl.ds(s * (N_PAD // NS), N_PAD // NS)
    pltpu.sync_copy(a_hbm.at[srows], slab)
    pltpu.sync_copy(slab, tbl_a.at[srows])
    pltpu.sync_copy(b_hbm.at[srows], slab)
    pltpu.sync_copy(slab, tbl_b.at[srows])
    plsc.subcore_barrier()

    pltpu.async_copy(tbl_a.at[idx_s], rows, sem).wait()
    for jj in range(8):
        @pl.when(jl == jj)
        def _():
            pltpu.sync_copy(rows, out_a.at[rows_sl, pl.ds(jj * H, H)])

    pltpu.async_copy(tbl_b.at[idx_d], rows, sem).wait()
    for jj in range(8):
        @pl.when(jl == jj)
        def _():
            pltpu.sync_copy(rows, out_b.at[rows_sl, pl.ds(jj * H, H)])



_DN = (((1,), (1,)), ((), ()))


def _tc1_body(x_ref, w_ref, o_ref):
    o_ref[...] = lax.dot_general(x_ref[...], w_ref[...], _DN,
                                 preferred_element_type=_f32)


_DP = (((1,), (0,)), ((), ()))


def _tc2_body(s0_ref, s1_ref, b_ref, w_ref, o_ref):
    h = jnp.maximum(s0_ref[...] + s1_ref[...] + b_ref[...], 0.0)
    o_ref[...] = lax.dot_general(h, w_ref[...], _DP,
                                 preferred_element_type=_f32)


def _tc3_body(s0_ref, s1_ref, b_ref, wl_ref, wr_ref, oa_ref, ob_ref):
    h = jnp.maximum(s0_ref[...] + s1_ref[...] + b_ref[...], 0.0)
    oa_ref[...] = lax.dot_general(h, wl_ref[...], _DP,
                                  preferred_element_type=_f32)
    ob_ref[...] = lax.dot_general(h, wr_ref[...], _DP,
                                  preferred_element_type=_f32)


def _blockdiag8(wt):
    bd = jnp.zeros((8 * H, 8 * H), _f32)
    for m in range(8):
        bd = bd.at[m * H:(m + 1) * H, m * H:(m + 1) * H].set(wt)
    return bd


def _tc4_body(ga_ref, gb_ref, bt_ref, w_ref, b2_ref, o_ref):
    ef = jnp.maximum(ga_ref[...] + gb_ref[...] + bt_ref[...], 0.0)
    z = lax.dot_general(ef, w_ref[0], (((1,), (0,)), ((), ())),
                        preferred_element_type=_f32) + b2_ref[...]
    m = jnp.max(z, axis=1, keepdims=True)
    lse = m + jnp.log(jnp.sum(jnp.exp(z - m), axis=1, keepdims=True))
    o_ref[...] = z - lse


def _full(shape):
    return pl.BlockSpec(shape, lambda *_: (0, 0))



def kernel(x, edge_index, W1, b1, W2, b2, Wf1, bf1, Wf2, bf2):
    src = edge_index[0]
    dst = edge_index[1]
    b1r = b1.reshape(1, H)
    b2r = b2.reshape(1, H)
    bf1r = bf1.reshape(1, H)
    bf2r = bf2.reshape(1, C)
    Wf1l = Wf1[:, :H]
    Wf1r = Wf1[:, H:]

    p1 = pl.pallas_call(
        _tc1_body,
        grid=(8,),
        in_specs=[
            pl.BlockSpec((N_PAD // 8, F_IN), lambda i: (i, 0)),
            _full((H, F_IN)),
        ],
        out_specs=pl.BlockSpec((N_PAD // 8, H), lambda i: (i, 0)),
        out_shape=_sds((N_PAD, H)),
    )(x, W1)

    s0, s1 = _sc_segsum(p1, src, dst)

    NP8 = N_PAD // 8
    b1t = jnp.tile(b1r, (1, 8))
    b2t = jnp.tile(b2r, (1, 8))
    p2p = pl.pallas_call(
        _tc2_body,
        in_specs=[
            _full((NP8, 8 * H)),
            _full((NP8, 8 * H)),
            _full((1, 8 * H)),
            _full((8 * H, 8 * H)),
        ],
        out_specs=_full((NP8, 8 * H)),
        out_shape=_sds((NP8, 8 * H)),
    )(s0.reshape(NP8, 8 * H), s1.reshape(NP8, 8 * H), b1t, _blockdiag8(W2.T))

    t0, t1 = _sc_segsum(p2p.reshape(N_PAD, H), src, dst)

    Ap, Bp = pl.pallas_call(
        _tc3_body,
        in_specs=[
            _full((NP8, 8 * H)),
            _full((NP8, 8 * H)),
            _full((1, 8 * H)),
            _full((8 * H, 8 * H)),
            _full((8 * H, 8 * H)),
        ],
        out_specs=[_full((NP8, 8 * H)), _full((NP8, 8 * H))],
        out_shape=[_sds((NP8, 8 * H)), _sds((NP8, 8 * H))],
    )(t0.reshape(NP8, 8 * H), t1.reshape(NP8, 8 * H), b2t,
      _blockdiag8(Wf1l.T), _blockdiag8(Wf1r.T))
    A = Ap.reshape(N_PAD, H)
    B = Bp.reshape(N_PAD, H)

    gA, gB = _sc_edge_gather(A, B, src, dst)

    bf1t = jnp.tile(bf1r, (1, 8))
    W_all = jnp.zeros((8, 8 * H, C), _f32)
    for j in range(8):
        W_all = W_all.at[j, j * H:(j + 1) * H, :].set(Wf2.T)
    RB = _ER // 2
    out = pl.pallas_call(
        _tc4_body,
        grid=(2, 8),
        in_specs=[
            pl.BlockSpec((RB, 8 * H), lambda i, j: (i, 0)),
            pl.BlockSpec((RB, 8 * H), lambda i, j: (i, 0)),
            pl.BlockSpec((1, 8 * H), lambda i, j: (0, 0)),
            pl.BlockSpec((1, 8 * H, C), lambda i, j: (j, 0, 0)),
            pl.BlockSpec((1, C), lambda i, j: (0, 0)),
        ],
        out_specs=pl.BlockSpec((RB, C), lambda i, j: (j * 2 + i, 0)),
        out_shape=_sds((E, C)),
    )(gA, gB, bf1t, W_all, bf2r)

    return out

# --- scband reference (transcript-rebuilt; emitter-appended) ---
"""Pipeline reference for scband-gin2-67551245631649 (READ-ONLY COPY).

The authoritative reference and input builder live on the scoring server;
editing this copy changes nothing except your own understanding.
"""

import jax, jax.numpy as jnp
import numpy as np

N, E, F_IN, H, C = 10000, 160000, 256, 16, 40

def setup_inputs(seed: int = 0) -> dict:
    key = jax.random.key(seed)
    ks = jax.random.split(key, 12)
    x = jax.random.normal(ks[0], (N, F_IN), dtype=jnp.float32)
    edge_index = jax.random.randint(ks[1], (2, E), 0, N)
    W1 = jax.random.normal(ks[2], (H, F_IN), dtype=jnp.float32) * 0.05
    b1 = jnp.zeros((H,), dtype=jnp.float32)
    W2 = jax.random.normal(ks[3], (H, H), dtype=jnp.float32) * 0.05
    b2 = jnp.zeros((H,), dtype=jnp.float32)
    Wf1 = jax.random.normal(ks[4], (H, 2 * H), dtype=jnp.float32) * 0.05
    bf1 = jnp.zeros((H,), dtype=jnp.float32)
    Wf2 = jax.random.normal(ks[5], (C, H), dtype=jnp.float32) * 0.05
    bf2 = jnp.zeros((C,), dtype=jnp.float32)
    return {"x": x, "edge_index": edge_index, "W1": W1, "b1": b1, "W2": W2, "b2": b2, "Wf1": Wf1, "bf1": bf1, "Wf2": Wf2, "bf2": bf2}

def reference(x, edge_index, W1, b1, W2, b2, Wf1, bf1, Wf2, bf2):
    src = edge_index[0]
    dst = edge_index[1]
    def gin_conv(h, W, b):
        # PyG GINConv, train_eps=False (eps=0): nn((1+eps)*x + sum_{j->i} x_j)
        aggr = jnp.zeros_like(h).at[dst].add(h[src])
        return (h + aggr) @ W.T + b
    h = jax.nn.relu(gin_conv(x, W1, b1))
    h = jax.nn.relu(gin_conv(h, W2, b2))
    edge_features = jnp.concatenate([h[src], h[dst]], axis=1)
    edge_features = jax.nn.relu(edge_features @ Wf1.T + bf1)
    out = edge_features @ Wf2.T + bf2
    return jax.nn.log_softmax(out, axis=1)

if __name__ == "__main__":
    import jax
    _d = setup_inputs()
    print(jax.jit(kernel)(*tuple(_d.values())))

</pallas_src>

<mosaic_0001>
#map = affine_map<(d0, d1) -> (0, 0)>
#map1 = affine_map<(d0, d1) -> (0)>
module attributes {stable_mosaic.version = 14 : i64} {
  func.func @_sc_segsum(%arg0: i32, %arg1: i32, %arg2: memref<10240x16xf32, #tpu.memory_space<hbm>>, %arg3: memref<160000xi32, #tpu.memory_space<hbm>>, %arg4: memref<160000xi32, #tpu.memory_space<hbm>>, %arg5: memref<10240x16xf32, #tpu.memory_space<hbm>>, %arg6: memref<10240x16xf32, #tpu.memory_space<hbm>>, %arg7: memref<5000xi32, #tpu.memory_space<vmem>>, %arg8: memref<5000xi32, #tpu.memory_space<vmem>>, %arg9: memref<5000x16xf32, #tpu.memory_space<vmem>>, %arg10: memref<640x16xf32, #tpu.memory_space<vmem>>, %arg11: memref<10240x16xf32, #tpu.memory_space<vmem_shared>>, %arg12: memref<10240x16xf32, #tpu.memory_space<vmem_shared>>, %arg13: memref<!tpu.dma_semaphore, #tpu.memory_space<semaphore_mem>>, %arg14: memref<!tpu.dma_semaphore, #tpu.memory_space<semaphore_mem>>, %arg15: memref<!tpu.dma_semaphore, #tpu.memory_space<semaphore_mem>>) attributes {dimension_semantics = [#tpu.dimension_semantics<core_parallel>, #tpu.dimension_semantics<subcore_parallel>], iteration_bounds = array<i64: 2, 16>, scalar_prefetch = 0 : i64, scratch_operands = 9 : i64, tpu.core_type = #tpu.core_type<sc_vector_subcore>, window_params = [{transform_indices = #map}, {transform_indices = #map1}, {transform_indices = #map1}, {transform_indices = #map}, {transform_indices = #map}]} {
    %mul3A = arith.constant 16 : i32
    %mul3A_0 = arith.muli %arg0, %mul3A : i32
    %add3A = arith.addi %mul3A_0, %arg1 : i32
    %mul3A_1 = arith.constant 5000 : i32
    %mul3A_2 = arith.muli %add3A, %mul3A_1 : i32
    %mul3A_3 = arith.constant 640 : i32
    %mul3A_4 = arith.muli %arg1, %mul3A_3 : i32
    %dma_start3A = tpu.memref_slice %arg3[%mul3A_2] : memref<160000xi32, #tpu.memory_space<hbm>> -> memref<5000xi32, #tpu.memory_space<hbm>>
    %dma_start3A_5 = tpu.memref_slice %arg3[%mul3A_2] : memref<160000xi32, #tpu.memory_space<hbm>> -> memref<5000xi32, #tpu.memory_space<hbm>>
    tpu.enqueue_dma source(%dma_start3A_5 : memref<5000xi32, #tpu.memory_space<hbm>>) target(%arg7 : memref<5000xi32, #tpu.memory_space<vmem>>) target_semaphore(%arg14 : memref<!tpu.dma_semaphore, #tpu.memory_space<semaphore_mem>>)
    %dma_start3A_6 = tpu.memref_slice %arg4[%mul3A_2] : memref<160000xi32, #tpu.memory_space<hbm>> -> memref<5000xi32, #tpu.memory_space<hbm>>
    %dma_start3A_7 = tpu.memref_slice %arg4[%mul3A_2] : memref<160000xi32, #tpu.memory_space<hbm>> -> memref<5000xi32, #tpu.memory_space<hbm>>
    tpu.enqueue_dma source(%dma_start3A_7 : memref<5000xi32, #tpu.memory_space<hbm>>) target(%arg8 : memref<5000xi32, #tpu.memory_space<vmem>>) target_semaphore(%arg15 : memref<!tpu.dma_semaphore, #tpu.memory_space<semaphore_mem>>)
    "tpu.region"() ({
      %run_scoped3A = tpu.sem_alloc : memref<!tpu.dma_semaphore, #tpu.memory_space<semaphore_mem>>
      %dma_start3A_34 = arith.constant 0 : i32
      %dma_start3A_35 = tpu.memref_slice %arg2[%mul3A_4, %dma_start3A_34] : memref<10240x16xf32, #tpu.memory_space<hbm>> -> memref<640x16xf32, #tpu.memory_space<hbm>>
      %dma_start3A_36 = arith.constant 0 : i32
      %dma_start3A_37 = tpu.memref_slice %arg2[%mul3A_4, %dma_start3A_36] : memref<10240x16xf32, #tpu.memory_space<hbm>> -> memref<640x16xf32, #tpu.memory_space<hbm>>
      tpu.enqueue_dma source(%dma_start3A_37 : memref<640x16xf32, #tpu.memory_space<hbm>>) target(%arg10 : memref<640x16xf32, #tpu.memory_space<vmem>>) target_semaphore(%run_scoped3A : memref<!tpu.dma_semaphore, #tpu.memory_space<semaphore_mem>>)
      %dma_wait3A_38 = arith.constant 0 : i32
      %dma_wait3A_39 = tpu.memref_slice %arg2[%mul3A_4, %dma_wait3A_38] : memref<10240x16xf32, #tpu.memory_space<hbm>> -> memref<640x16xf32, #tpu.memory_space<hbm>>
      %dma_wait3A_40 = arith.constant 0 : i32
      %dma_wait3A_41 = tpu.memref_slice %arg2[%mul3A_4, %dma_wait3A_40] : memref<10240x16xf32, #tpu.memory_space<hbm>> -> memref<640x16xf32, #tpu.memory_space<hbm>>
      tpu.wait_dma2 semaphore(%run_scoped3A : memref<!tpu.dma_semaphore, #tpu.memory_space<semaphore_mem>>) src(%dma_wait3A_41 : memref<640x16xf32, #tpu.memory_space<hbm>>) dst(%arg10 : memref<640x16xf32, #tpu.memory_space<vmem>>)
      tpu.yield
    }) : () -> ()
    "tpu.region"() ({
      %run_scoped3A = tpu.sem_alloc : memref<!tpu.dma_semaphore, #tpu.memory_space<semaphore_mem>>
      %dma_start3A_34 = arith.constant 0 : i32
      %dma_start3A_35 = tpu.memref_slice %arg12[%mul3A_4, %dma_start3A_34] : memref<10240x16xf32, #tpu.memory_space<vmem_shared>> -> memref<640x16xf32, #tpu.memory_space<vmem_shared>>
      %dma_start3A_36 = arith.constant 0 : i32
      %dma_start3A_37 = tpu.memref_slice %arg12[%mul3A_4, %dma_start3A_36] : memref<10240x16xf32, #tpu.memory_space<vmem_shared>> -> memref<640x16xf32, #tpu.memory_space<vmem_shared>>
      tpu.enqueue_dma source(%arg10 : memref<640x16xf32, #tpu.memory_space<vmem>>) target(%dma_start3A_37 : memref<640x16xf32, #tpu.memory_space<vmem_shared>>) target_semaphore(%run_scoped3A : memref<!tpu.dma_semaphore, #tpu.memory_space<semaphore_mem>>)
      %dma_wait3A_38 = arith.constant 0 : i32
      %dma_wait3A_39 = tpu.memref_slice %arg12[%mul3A_4, %dma_wait3A_38] : memref<10240x16xf32, #tpu.memory_space<vmem_shared>> -> memref<640x16xf32, #tpu.memory_space<vmem_shared>>
      %dma_wait3A_40 = arith.constant 0 : i32
      %dma_wait3A_41 = tpu.memref_slice %arg12[%mul3A_4, %dma_wait3A_40] : memref<10240x16xf32, #tpu.memory_space<vmem_shared>> -> memref<640x16xf32, #tpu.memory_space<vmem_shared>>
      tpu.wait_dma2 semaphore(%run_scoped3A : memref<!tpu.dma_semaphore, #tpu.memory_space<semaphore_mem>>) src(%arg10 : memref<640x16xf32, #tpu.memory_space<vmem>>) dst(%dma_wait3A_41 : memref<640x16xf32, #tpu.memory_space<vmem_shared>>)
      tpu.yield
    }) : () -> ()
    %eq3A = arith.constant 0 : i32
    %eq3A_8 = arith.cmpi eq, %arg0, %eq3A : i32
    %convert_element_type3A = arith.extui %eq3A_8 : i1 to i32
    %cond3A = arith.constant 0 : i32
    %cond3A_9 = arith.cmpi ne, %convert_element_type3A, %cond3A : i32
    scf.if %cond3A_9 {
      "tpu.region"() ({
        %run_scoped3A = tpu.sem_alloc : memref<!tpu.dma_semaphore, #tpu.memory_space<semaphore_mem>>
        %dma_start3A_34 = arith.constant 0 : i32
        %dma_start3A_35 = tpu.memref_slice %arg11[%mul3A_4, %dma_start3A_34] : memref<10240x16xf32, #tpu.memory_space<vmem_shared>> -> memref<640x16xf32, #tpu.memory_space<vmem_shared>>
        %dma_start3A_36 = arith.constant 0 : i32
        %dma_start3A_37 = tpu.memref_slice %arg11[%mul3A_4, %dma_start3A_36] : memref<10240x16xf32, #tpu.memory_space<vmem_shared>> -> memref<640x16xf32, #tpu.memory_space<vmem_shared>>
        tpu.enqueue_dma source(%arg10 : memref<640x16xf32, #tpu.memory_space<vmem>>) target(%dma_start3A_37 : memref<640x16xf32, #tpu.memory_space<vmem_shared>>) target_semaphore(%run_scoped3A : memref<!tpu.dma_semaphore, #tpu.memory_space<semaphore_mem>>)
        %dma_wait3A_38 = arith.constant 0 : i32
        %dma_wait3A_39 = tpu.memref_slice %arg11[%mul3A_4, %dma_wait3A_38] : memref<10240x16xf32, #tpu.memory_space<vmem_shared>> -> memref<640x16xf32, #tpu.memory_space<vmem_shared>>
        %dma_wait3A_40 = arith.constant 0 : i32
        %dma_wait3A_41 = tpu.memref_slice %arg11[%mul3A_4, %dma_wait3A_40] : memref<10240x16xf32, #tpu.memory_space<vmem_shared>> -> memref<640x16xf32, #tpu.memory_space<vmem_shared>>
        tpu.wait_dma2 semaphore(%run_scoped3A : memref<!tpu.dma_semaphore, #tpu.memory_space<semaphore_mem>>) src(%arg10 : memref<640x16xf32, #tpu.memory_space<vmem>>) dst(%dma_wait3A_41 : memref<640x16xf32, #tpu.memory_space<vmem_shared>>)
        tpu.yield
      }) : () -> ()
    } else {
    }
    %ne3A = arith.constant 0 : i32
    %ne3A_10 = arith.cmpi ne, %arg0, %ne3A : i32
    %convert_element_type3A_11 = arith.extui %ne3A_10 : i1 to i32
    %cond3A_12 = arith.constant 0 : i32
    %cond3A_13 = arith.cmpi ne, %convert_element_type3A_11, %cond3A_12 : i32
    scf.if %cond3A_13 {
      %broadcast_in_dim3A = arith.constant 0.000000e+00 : f32
      %broadcast_in_dim3A_34 = vector.broadcast %broadcast_in_dim3A : f32 to vector<16xf32>
      %scan3A = arith.constant 0 : i32
      %scan3A_35 = arith.constant 0 : i32
      %scan3A_36 = arith.constant 640 : i32
      %scan3A_37 = arith.addi %scan3A_35, %scan3A_36 : i32
      %scan3A_38 = arith.constant 1 : i32
      scf.for %scan3A_40 = %scan3A_35 to %scan3A_37 step %scan3A_38  : i32 {
        %swap3A = arith.index_cast %scan3A_40 : i32 to index
        %swap3A_41 = arith.constant 0 : index
        %swap3A_42 = tpu.vector_load %arg10[%swap3A, %swap3A_41] {strides = array<i32>} : memref<640x16xf32, #tpu.memory_space<vmem>>, vector<1x16xf32>,
        %swap3A_43 = vector.shape_cast %swap3A_42 : vector<1x16xf32> to vector<16xf32>
        %swap3A_44 = vector.shape_cast %broadcast_in_dim3A_34 : vector<16xf32> to vector<1x16xf32>
        tpu.vector_store %arg10[%swap3A, %swap3A_41], %swap3A_44 {strides = array<i32>} : memref<640x16xf32, #tpu.memory_space<vmem>>, vector<1x16xf32>,
      }
      %scan3A_39 = arith.constant 640 : i32
      "tpu.region"() ({
        %run_scoped3A = tpu.sem_alloc : memref<!tpu.dma_semaphore, #tpu.memory_space<semaphore_mem>>
        %dma_start3A_40 = arith.constant 0 : i32
        %dma_start3A_41 = tpu.memref_slice %arg11[%mul3A_4, %dma_start3A_40] : memref<10240x16xf32, #tpu.memory_space<vmem_shared>> -> memref<640x16xf32, #tpu.memory_space<vmem_shared>>
        %dma_start3A_42 = arith.constant 0 : i32
        %dma_start3A_43 = tpu.memref_slice %arg11[%mul3A_4, %dma_start3A_42] : memref<10240x16xf32, #tpu.memory_space<vmem_shared>> -> memref<640x16xf32, #tpu.memory_space<vmem_shared>>
        tpu.enqueue_dma source(%arg10 : memref<640x16xf32, #tpu.memory_space<vmem>>) target(%dma_start3A_43 : memref<640x16xf32, #tpu.memory_space<vmem_shared>>) target_semaphore(%run_scoped3A : memref<!tpu.dma_semaphore, #tpu.memory_space<semaphore_mem>>)
        %dma_wait3A_44 = arith.constant 0 : i32
        %dma_wait3A_45 = tpu.memref_slice %arg11[%mul3A_4, %dma_wait3A_44] : memref<10240x16xf32, #tpu.memory_space<vmem_shared>> -> memref<640x16xf32, #tpu.memory_space<vmem_shared>>
        %dma_wait3A_46 = arith.constant 0 : i32
        %dma_wait3A_47 = tpu.memref_slice %arg11[%mul3A_4, %dma_wait3A_46] : memref<10240x16xf32, #tpu.memory_space<vmem_shared>> -> memref<640x16xf32, #tpu.memory_space<vmem_shared>>
        tpu.wait_dma2 semaphore(%run_scoped3A : memref<!tpu.dma_semaphore, #tpu.memory_space<semaphore_mem>>) src(%arg10 : memref<640x16xf32, #tpu.memory_space<vmem>>) dst(%dma_wait3A_47 : memref<640x16xf32, #tpu.memory_space<vmem_shared>>)
        tpu.yield
      }) : () -> ()
    } else {
    }
    %dma_wait3A = tpu.memref_slice %arg3[%mul3A_2] : memref<160000xi32, #tpu.memory_space<hbm>> -> memref<5000xi32, #tpu.memory_space<hbm>>
    %dma_wait3A_14 = tpu.memref_slice %arg3[%mul3A_2] : memref<160000xi32, #tpu.memory_space<hbm>> -> memref<5000xi32, #tpu.memory_space<hbm>>
    tpu.wait_dma2 semaphore(%arg14 : memref<!tpu.dma_semaphore, #tpu.memory_space<semaphore_mem>>) src(%dma_wait3A_14 : memref<5000xi32, #tpu.memory_space<hbm>>) dst(%arg7 : memref<5000xi32, #tpu.memory_space<vmem>>)
    %dma_wait3A_15 = tpu.memref_slice %arg4[%mul3A_2] : memref<160000xi32, #tpu.memory_space<hbm>> -> memref<5000xi32, #tpu.memory_space<hbm>>
    %dma_wait3A_16 = tpu.memref_slice %arg4[%mul3A_2] : memref<160000xi32, #tpu.memory_space<hbm>> -> memref<5000xi32, #tpu.memory_space<hbm>>
    tpu.wait_dma2 semaphore(%arg15 : memref<!tpu.dma_semaphore, #tpu.memory_space<semaphore_mem>>) src(%dma_wait3A_16 : memref<5000xi32, #tpu.memory_space<hbm>>) dst(%arg8 : memref<5000xi32, #tpu.memory_space<vmem>>)
    %barrier3A = arith.constant 0 : index
    tpu.barrier barrier_id(%barrier3A)
    %dma_start3A_17 = arith.constant 0 : i32
    %dma_start3A_18 = arith.constant 0 : i32
    %dma_start3A_19 = tpu.memref_slice %arg12[%dma_start3A_17, %dma_start3A_18] : memref<10240x16xf32, #tpu.memory_space<vmem_shared>> -> memref<10240x16xf32, #tpu.memory_space<vmem_shared>>
    tpu.enqueue_indirect_dma source(%dma_start3A_19 : memref<10240x16xf32, #tpu.memory_space<vmem_shared>>) target(%arg9 : memref<5000x16xf32, #tpu.memory_space<vmem>>) offsets(%arg7 : memref<5000xi32, #tpu.memory_space<vmem>>) semaphore(%arg13 : memref<!tpu.dma_semaphore, #tpu.memory_space<semaphore_mem>>)
    %dma_wait3A_20 = arith.constant 0 : i32
    %dma_wait3A_21 = arith.constant 0 : i32
    %dma_wait3A_22 = tpu.memref_slice %arg12[%dma_wait3A_20, %dma_wait3A_21] : memref<10240x16xf32, #tpu.memory_space<vmem_shared>> -> memref<10240x16xf32, #tpu.memory_space<vmem_shared>>
    tpu.wait_indirect_dma semaphore(%arg13 : memref<!tpu.dma_semaphore, #tpu.memory_space<semaphore_mem>>) src(%dma_wait3A_22 : memref<10240x16xf32, #tpu.memory_space<vmem_shared>>) dst(%arg9 : memref<5000x16xf32, #tpu.memory_space<vmem>>)
    "tpu.region"() ({
      %run_scoped3A = tpu.sem_alloc : memref<!tpu.dma_semaphore, #tpu.memory_space<semaphore_mem>>
      %dma_start3A_34 = arith.constant 0 : i32
      %dma_start3A_35 = arith.constant 0 : i32
      %dma_start3A_36 = tpu.memref_slice %arg11[%dma_start3A_34, %dma_start3A_35] : memref<10240x16xf32, #tpu.memory_space<vmem_shared>> -> memref<10240x16xf32, #tpu.memory_space<vmem_shared>>
      tpu.enqueue_indirect_dma source(%arg9 : memref<5000x16xf32, #tpu.memory_space<vmem>>) target(%dma_start3A_36 : memref<10240x16xf32, #tpu.memory_space<vmem_shared>>) offsets(%arg8 : memref<5000xi32, #tpu.memory_space<vmem>>) semaphore(%run_scoped3A : memref<!tpu.dma_semaphore, #tpu.memory_space<semaphore_mem>>) {add = true}
      %dma_wait3A_37 = arith.constant 0 : i32
      %dma_wait3A_38 = arith.constant 0 : i32
      %dma_wait3A_39 = tpu.memref_slice %arg11[%dma_wait3A_37, %dma_wait3A_38] : memref<10240x16xf32, #tpu.memory_space<vmem_shared>> -> memref<10240x16xf32, #tpu.memory_space<vmem_shared>>
      tpu.wait_indirect_dma semaphore(%run_scoped3A : memref<!tpu.dma_semaphore, #tpu.memory_space<semaphore_mem>>) src(%arg9 : memref<5000x16xf32, #tpu.memory_space<vmem>>) dst(%dma_wait3A_39 : memref<10240x16xf32, #tpu.memory_space<vmem_shared>>)
      tpu.yield
    }) : () -> ()
    %barrier3A_23 = arith.constant 0 : index
    tpu.barrier barrier_id(%barrier3A_23)
    "tpu.region"() ({
      %run_scoped3A = tpu.sem_alloc : memref<!tpu.dma_semaphore, #tpu.memory_space<semaphore_mem>>
      %dma_start3A_34 = arith.constant 0 : i32
      %dma_start3A_35 = tpu.memref_slice %arg11[%mul3A_4, %dma_start3A_34] : memref<10240x16xf32, #tpu.memory_space<vmem_shared>> -> memref<640x16xf32, #tpu.memory_space<vmem_shared>>
      %dma_start3A_36 = arith.constant 0 : i32
      %dma_start3A_37 = tpu.memref_slice %arg11[%mul3A_4, %dma_start3A_36] : memref<10240x16xf32, #tpu.memory_space<vmem_shared>> -> memref<640x16xf32, #tpu.memory_space<vmem_shared>>
      tpu.enqueue_dma source(%dma_start3A_37 : memref<640x16xf32, #tpu.memory_space<vmem_shared>>) target(%arg10 : memref<640x16xf32, #tpu.memory_space<vmem>>) target_semaphore(%run_scoped3A : memref<!tpu.dma_semaphore, #tpu.memory_space<semaphore_mem>>)
      %dma_wait3A_38 = arith.constant 0 : i32
      %dma_wait3A_39 = tpu.memref_slice %arg11[%mul3A_4, %dma_wait3A_38] : memref<10240x16xf32, #tpu.memory_space<vmem_shared>> -> memref<640x16xf32, #tpu.memory_space<vmem_shared>>
      %dma_wait3A_40 = arith.constant 0 : i32
      %dma_wait3A_41 = tpu.memref_slice %arg11[%mul3A_4, %dma_wait3A_40] : memref<10240x16xf32, #tpu.memory_space<vmem_shared>> -> memref<640x16xf32, #tpu.memory_space<vmem_shared>>
      tpu.wait_dma2 semaphore(%run_scoped3A : memref<!tpu.dma_semaphore, #tpu.memory_space<semaphore_mem>>) src(%dma_wait3A_41 : memref<640x16xf32, #tpu.memory_space<vmem_shared>>) dst(%arg10 : memref<640x16xf32, #tpu.memory_space<vmem>>)
      tpu.yield
    }) : () -> ()
    %eq3A_24 = arith.constant 0 : i32
    %eq3A_25 = arith.cmpi eq, %arg0, %eq3A_24 : i32
    %convert_element_type3A_26 = arith.extui %eq3A_25 : i1 to i32
    %cond3A_27 = arith.constant 0 : i32
    %cond3A_28 = arith.cmpi ne, %convert_element_type3A_26, %cond3A_27 : i32
    scf.if %cond3A_28 {
      "tpu.region"() ({
        %run_scoped3A = tpu.sem_alloc : memref<!tpu.dma_semaphore, #tpu.memory_space<semaphore_mem>>
        %dma_start3A_34 = arith.constant 0 : i32
        %dma_start3A_35 = tpu.memref_slice %arg5[%mul3A_4, %dma_start3A_34] : memref<10240x16xf32, #tpu.memory_space<hbm>> -> memref<640x16xf32, #tpu.memory_space<hbm>>
        %dma_start3A_36 = arith.constant 0 : i32
        %dma_start3A_37 = tpu.memref_slice %arg5[%mul3A_4, %dma_start3A_36] : memref<10240x16xf32, #tpu.memory_space<hbm>> -> memref<640x16xf32, #tpu.memory_space<hbm>>
        tpu.enqueue_dma source(%arg10 : memref<640x16xf32, #tpu.memory_space<vmem>>) target(%dma_start3A_37 : memref<640x16xf32, #tpu.memory_space<hbm>>) target_semaphore(%run_scoped3A : memref<!tpu.dma_semaphore, #tpu.memory_space<semaphore_mem>>)
        %dma_wait3A_38 = arith.constant 0 : i32
        %dma_wait3A_39 = tpu.memref_slice %arg5[%mul3A_4, %dma_wait3A_38] : memref<10240x16xf32, #tpu.memory_space<hbm>> -> memref<640x16xf32, #tpu.memory_space<hbm>>
        %dma_wait3A_40 = arith.constant 0 : i32
        %dma_wait3A_41 = tpu.memref_slice %arg5[%mul3A_4, %dma_wait3A_40] : memref<10240x16xf32, #tpu.memory_space<hbm>> -> memref<640x16xf32, #tpu.memory_space<hbm>>
        tpu.wait_dma2 semaphore(%run_scoped3A : memref<!tpu.dma_semaphore, #tpu.memory_space<semaphore_mem>>) src(%arg10 : memref<640x16xf32, #tpu.memory_space<vmem>>) dst(%dma_wait3A_41 : memref<640x16xf32, #tpu.memory_space<hbm>>)
        tpu.yield
      }) : () -> ()
    } else {
    }
    %ne3A_29 = arith.constant 0 : i32
    %ne3A_30 = arith.cmpi ne, %arg0, %ne3A_29 : i32
    %convert_element_type3A_31 = arith.extui %ne3A_30 : i1 to i32
    %cond3A_32 = arith.constant 0 : i32
    %cond3A_33 = arith.cmpi ne, %convert_element_type3A_31, %cond3A_32 : i32
    scf.if %cond3A_33 {
      "tpu.region"() ({
        %run_scoped3A = tpu.sem_alloc : memref<!tpu.dma_semaphore, #tpu.memory_space<semaphore_mem>>
        %dma_start3A_34 = arith.constant 0 : i32
        %dma_start3A_35 = tpu.memref_slice %arg6[%mul3A_4, %dma_start3A_34] : memref<10240x16xf32, #tpu.memory_space<hbm>> -> memref<640x16xf32, #tpu.memory_space<hbm>>
        %dma_start3A_36 = arith.constant 0 : i32
        %dma_start3A_37 = tpu.memref_slice %arg6[%mul3A_4, %dma_start3A_36] : memref<10240x16xf32, #tpu.memory_space<hbm>> -> memref<640x16xf32, #tpu.memory_space<hbm>>
        tpu.enqueue_dma source(%arg10 : memref<640x16xf32, #tpu.memory_space<vmem>>) target(%dma_start3A_37 : memref<640x16xf32, #tpu.memory_space<hbm>>) target_semaphore(%run_scoped3A : memref<!tpu.dma_semaphore, #tpu.memory_space<semaphore_mem>>)
        %dma_wait3A_38 = arith.constant 0 : i32
        %dma_wait3A_39 = tpu.memref_slice %arg6[%mul3A_4, %dma_wait3A_38] : memref<10240x16xf32, #tpu.memory_space<hbm>> -> memref<640x16xf32, #tpu.memory_space<hbm>>
        %dma_wait3A_40 = arith.constant 0 : i32
        %dma_wait3A_41 = tpu.memref_slice %arg6[%mul3A_4, %dma_wait3A_40] : memref<10240x16xf32, #tpu.memory_space<hbm>> -> memref<640x16xf32, #tpu.memory_space<hbm>>
        tpu.wait_dma2 semaphore(%run_scoped3A : memref<!tpu.dma_semaphore, #tpu.memory_space<semaphore_mem>>) src(%arg10 : memref<640x16xf32, #tpu.memory_space<vmem>>) dst(%dma_wait3A_41 : memref<640x16xf32, #tpu.memory_space<hbm>>)
        tpu.yield
      }) : () -> ()
    } else {
    }
    return
  }
}

#map = affine_map<(d0, d1) -> (0, 0)>
#map1 = affine_map<(d0, d1) -> (0)>
module attributes {stable_mosaic.version = 14 : i64} {
  func.func @_sc_segsum(%arg0: i32, %arg1: i32, %arg2: memref<10240x16xf32, #tpu.memory_space<hbm>>, %arg3: memref<160000xi32, #tpu.memory_space<hbm>>, %arg4: memref<160000xi32, #tpu.memory_space<hbm>>, %arg5: memref<10240x16xf32, #tpu.memory_space<hbm>>, %arg6: memref<10240x16xf32, #tpu.memory_space<hbm>>, %arg7: memref<5000xi32, #tpu.memory_space<vmem>>, %arg8: memref<5000xi32, #tpu.memory_space<vmem>>, %arg9: memref<5000x16xf32, #tpu.memory_space<vmem>>, %arg10: memref<640x16xf32, #tpu.memory_space<vmem>>, %arg11: memref<10240x16xf32, #tpu.memory_space<vmem_shared>>, %arg12: memref<10240x16xf32, #tpu.memory_space<vmem_shared>>, %arg13: memref<!tpu.dma_semaphore, #tpu.memory_space<semaphore_mem>>, %arg14: memref<!tpu.dma_semaphore, #tpu.memory_space<semaphore_mem>>, %arg15: memref<!tpu.dma_semaphore, #tpu.memory_space<semaphore_mem>>) attributes {dimension_semantics = [#tpu.dimension_semantics<core_parallel>, #tpu.dimension_semantics<subcore_parallel>], iteration_bounds = array<i64: 2, 16>, scalar_prefetch = 0 : i64, scratch_operands = 9 : i64, tpu.core_type = #tpu.core_type<sc_vector_subcore>, window_params = [{transform_indices = #map}, {transform_indices = #map1}, {transform_indices = #map1}, {transform_indices = #map}, {transform_indices = #map}]} {
    %mul3A = arith.constant 16 : i32
    %mul3A_0 = arith.muli %arg0, %mul3A : i32
    %add3A = arith.addi %mul3A_0, %arg1 : i32
    %mul3A_1 = arith.constant 5000 : i32
    %mul3A_2 = arith.muli %add3A, %mul3A_1 : i32
    %mul3A_3 = arith.constant 640 : i32
    %mul3A_4 = arith.muli %arg1, %mul3A_3 : i32
    %dma_start3A = tpu.memref_slice %arg3[%mul3A_2] : memref<160000xi32, #tpu.memory_space<hbm>> -> memref<5000xi32, #tpu.memory_space<hbm>>
    %dma_start3A_5 = tpu.memref_slice %arg3[%mul3A_2] : memref<160000xi32, #tpu.memory_space<hbm>> -> memref<5000xi32, #tpu.memory_space<hbm>>
    tpu.enqueue_dma source(%dma_start3A_5 : memref<5000xi32, #tpu.memory_space<hbm>>) target(%arg7 : memref<5000xi32, #tpu.memory_space<vmem>>) target_semaphore(%arg14 : memref<!tpu.dma_semaphore, #tpu.memory_space<semaphore_mem>>)
    %dma_start3A_6 = tpu.memref_slice %arg4[%mul3A_2] : memref<160000xi32, #tpu.memory_space<hbm>> -> memref<5000xi32, #tpu.memory_space<hbm>>
    %dma_start3A_7 = tpu.memref_slice %arg4[%mul3A_2] : memref<160000xi32, #tpu.memory_space<hbm>> -> memref<5000xi32, #tpu.memory_space<hbm>>
    tpu.enqueue_dma source(%dma_start3A_7 : memref<5000xi32, #tpu.memory_space<hbm>>) target(%arg8 : memref<5000xi32, #tpu.memory_space<vmem>>) target_semaphore(%arg15 : memref<!tpu.dma_semaphore, #tpu.memory_space<semaphore_mem>>)
    "tpu.region"() ({
      %run_scoped3A = tpu.sem_alloc : memref<!tpu.dma_semaphore, #tpu.memory_space<semaphore_mem>>
      %dma_start3A_34 = arith.constant 0 : i32
      %dma_start3A_35 = tpu.memref_slice %arg2[%mul3A_4, %dma_start3A_34] : memref<10240x16xf32, #tpu.memory_space<hbm>> -> memref<640x16xf32, #tpu.memory_space<hbm>>
      %dma_start3A_36 = arith.constant 0 : i32
      %dma_start3A_37 = tpu.memref_slice %arg2[%mul3A_4, %dma_start3A_36] : memref<10240x16xf32, #tpu.memory_space<hbm>> -> memref<640x16xf32, #tpu.memory_space<hbm>>
      tpu.enqueue_dma source(%dma_start3A_37 : memref<640x16xf32, #tpu.memory_space<hbm>>) target(%arg10 : memref<640x16xf32, #tpu.memory_space<vmem>>) target_semaphore(%run_scoped3A : memref<!tpu.dma_semaphore, #tpu.memory_space<semaphore_mem>>)
      %dma_wait3A_38 = arith.constant 0 : i32
      %dma_wait3A_39 = tpu.memref_slice %arg2[%mul3A_4, %dma_wait3A_38] : memref<10240x16xf32, #tpu.memory_space<hbm>> -> memref<640x16xf32, #tpu.memory_space<hbm>>
      %dma_wait3A_40 = arith.constant 0 : i32
      %dma_wait3A_41 = tpu.memref_slice %arg2[%mul3A_4, %dma_wait3A_40] : memref<10240x16xf32, #tpu.memory_space<hbm>> -> memref<640x16xf32, #tpu.memory_space<hbm>>
      tpu.wait_dma2 semaphore(%run_scoped3A : memref<!tpu.dma_semaphore, #tpu.memory_space<semaphore_mem>>) src(%dma_wait3A_41 : memref<640x16xf32, #tpu.memory_space<hbm>>) dst(%arg10 : memref<640x16xf32, #tpu.memory_space<vmem>>)
      tpu.yield
    }) : () -> ()
    "tpu.region"() ({
      %run_scoped3A = tpu.sem_alloc : memref<!tpu.dma_semaphore, #tpu.memory_space<semaphore_mem>>
      %dma_start3A_34 = arith.constant 0 : i32
      %dma_start3A_35 = tpu.memref_slice %arg12[%mul3A_4, %dma_start3A_34] : memref<10240x16xf32, #tpu.memory_space<vmem_shared>> -> memref<640x16xf32, #tpu.memory_space<vmem_shared>>
      %dma_start3A_36 = arith.constant 0 : i32
      %dma_start3A_37 = tpu.memref_slice %arg12[%mul3A_4, %dma_start3A_36] : memref<10240x16xf32, #tpu.memory_space<vmem_shared>> -> memref<640x16xf32, #tpu.memory_space<vmem_shared>>
      tpu.enqueue_dma source(%arg10 : memref<640x16xf32, #tpu.memory_space<vmem>>) target(%dma_start3A_37 : memref<640x16xf32, #tpu.memory_space<vmem_shared>>) target_semaphore(%run_scoped3A : memref<!tpu.dma_semaphore, #tpu.memory_space<semaphore_mem>>)
      %dma_wait3A_38 = arith.constant 0 : i32
      %dma_wait3A_39 = tpu.memref_slice %arg12[%mul3A_4, %dma_wait3A_38] : memref<10240x16xf32, #tpu.memory_space<vmem_shared>> -> memref<640x16xf32, #tpu.memory_space<vmem_shared>>
      %dma_wait3A_40 = arith.constant 0 : i32
      %dma_wait3A_41 = tpu.memref_slice %arg12[%mul3A_4, %dma_wait3A_40] : memref<10240x16xf32, #tpu.memory_space<vmem_shared>> -> memref<640x16xf32, #tpu.memory_space<vmem_shared>>
      tpu.wait_dma2 semaphore(%run_scoped3A : memref<!tpu.dma_semaphore, #tpu.memory_space<semaphore_mem>>) src(%arg10 : memref<640x16xf32, #tpu.memory_space<vmem>>) dst(%dma_wait3A_41 : memref<640x16xf32, #tpu.memory_space<vmem_shared>>)
      tpu.yield
    }) : () -> ()
    %eq3A = arith.constant 0 : i32
    %eq3A_8 = arith.cmpi eq, %arg0, %eq3A : i32
    %convert_element_type3A = arith.extui %eq3A_8 : i1 to i32
    %cond3A = arith.constant 0 : i32
    %cond3A_9 = arith.cmpi ne, %convert_element_type3A, %cond3A : i32
    scf.if %cond3A_9 {
      "tpu.region"() ({
        %run_scoped3A = tpu.sem_alloc : memref<!tpu.dma_semaphore, #tpu.memory_space<semaphore_mem>>
        %dma_start3A_34 = arith.constant 0 : i32
        %dma_start3A_35 = tpu.memref_slice %arg11[%mul3A_4, %dma_start3A_34] : memref<10240x16xf32, #tpu.memory_space<vmem_shared>> -> memref<640x16xf32, #tpu.memory_space<vmem_shared>>
        %dma_start3A_36 = arith.constant 0 : i32
        %dma_start3A_37 = tpu.memref_slice %arg11[%mul3A_4, %dma_start3A_36] : memref<10240x16xf32, #tpu.memory_space<vmem_shared>> -> memref<640x16xf32, #tpu.memory_space<vmem_shared>>
        tpu.enqueue_dma source(%arg10 : memref<640x16xf32, #tpu.memory_space<vmem>>) target(%dma_start3A_37 : memref<640x16xf32, #tpu.memory_space<vmem_shared>>) target_semaphore(%run_scoped3A : memref<!tpu.dma_semaphore, #tpu.memory_space<semaphore_mem>>)
        %dma_wait3A_38 = arith.constant 0 : i32
        %dma_wait3A_39 = tpu.memref_slice %arg11[%mul3A_4, %dma_wait3A_38] : memref<10240x16xf32, #tpu.memory_space<vmem_shared>> -> memref<640x16xf32, #tpu.memory_space<vmem_shared>>
        %dma_wait3A_40 = arith.constant 0 : i32
        %dma_wait3A_41 = tpu.memref_slice %arg11[%mul3A_4, %dma_wait3A_40] : memref<10240x16xf32, #tpu.memory_space<vmem_shared>> -> memref<640x16xf32, #tpu.memory_space<vmem_shared>>
        tpu.wait_dma2 semaphore(%run_scoped3A : memref<!tpu.dma_semaphore, #tpu.memory_space<semaphore_mem>>) src(%arg10 : memref<640x16xf32, #tpu.memory_space<vmem>>) dst(%dma_wait3A_41 : memref<640x16xf32, #tpu.memory_space<vmem_shared>>)
        tpu.yield
      }) : () -> ()
    } else {
    }
    %ne3A = arith.constant 0 : i32
    %ne3A_10 = arith.cmpi ne, %arg0, %ne3A : i32
    %convert_element_type3A_11 = arith.extui %ne3A_10 : i1 to i32
    %cond3A_12 = arith.constant 0 : i32
    %cond3A_13 = arith.cmpi ne, %convert_element_type3A_11, %cond3A_12 : i32
    scf.if %cond3A_13 {
      %broadcast_in_dim3A = arith.constant 0.000000e+00 : f32
      %broadcast_in_dim3A_34 = vector.broadcast %broadcast_in_dim3A : f32 to vector<16xf32>
      %scan3A = arith.constant 0 : i32
      %scan3A_35 = arith.constant 0 : i32
      %scan3A_36 = arith.constant 640 : i32
      %scan3A_37 = arith.addi %scan3A_35, %scan3A_36 : i32
      %scan3A_38 = arith.constant 1 : i32
      scf.for %scan3A_40 = %scan3A_35 to %scan3A_37 step %scan3A_38  : i32 {
        %swap3A = arith.index_cast %scan3A_40 : i32 to index
        %swap3A_41 = arith.constant 0 : index
        %swap3A_42 = tpu.vector_load %arg10[%swap3A, %swap3A_41] {strides = array<i32>} : memref<640x16xf32, #tpu.memory_space<vmem>>, vector<1x16xf32>,
        %swap3A_43 = vector.shape_cast %swap3A_42 : vector<1x16xf32> to vector<16xf32>
        %swap3A_44 = vector.shape_cast %broadcast_in_dim3A_34 : vector<16xf32> to vector<1x16xf32>
        tpu.vector_store %arg10[%swap3A, %swap3A_41], %swap3A_44 {strides = array<i32>} : memref<640x16xf32, #tpu.memory_space<vmem>>, vector<1x16xf32>,
      }
      %scan3A_39 = arith.constant 640 : i32
      "tpu.region"() ({
        %run_scoped3A = tpu.sem_alloc : memref<!tpu.dma_semaphore, #tpu.memory_space<semaphore_mem>>
        %dma_start3A_40 = arith.constant 0 : i32
        %dma_start3A_41 = tpu.memref_slice %arg11[%mul3A_4, %dma_start3A_40] : memref<10240x16xf32, #tpu.memory_space<vmem_shared>> -> memref<640x16xf32, #tpu.memory_space<vmem_shared>>
        %dma_start3A_42 = arith.constant 0 : i32
        %dma_start3A_43 = tpu.memref_slice %arg11[%mul3A_4, %dma_start3A_42] : memref<10240x16xf32, #tpu.memory_space<vmem_shared>> -> memref<640x16xf32, #tpu.memory_space<vmem_shared>>
        tpu.enqueue_dma source(%arg10 : memref<640x16xf32, #tpu.memory_space<vmem>>) target(%dma_start3A_43 : memref<640x16xf32, #tpu.memory_space<vmem_shared>>) target_semaphore(%run_scoped3A : memref<!tpu.dma_semaphore, #tpu.memory_space<semaphore_mem>>)
        %dma_wait3A_44 = arith.constant 0 : i32
        %dma_wait3A_45 = tpu.memref_slice %arg11[%mul3A_4, %dma_wait3A_44] : memref<10240x16xf32, #tpu.memory_space<vmem_shared>> -> memref<640x16xf32, #tpu.memory_space<vmem_shared>>
        %dma_wait3A_46 = arith.constant 0 : i32
        %dma_wait3A_47 = tpu.memref_slice %arg11[%mul3A_4, %dma_wait3A_46] : memref<10240x16xf32, #tpu.memory_space<vmem_shared>> -> memref<640x16xf32, #tpu.memory_space<vmem_shared>>
        tpu.wait_dma2 semaphore(%run_scoped3A : memref<!tpu.dma_semaphore, #tpu.memory_space<semaphore_mem>>) src(%arg10 : memref<640x16xf32, #tpu.memory_space<vmem>>) dst(%dma_wait3A_47 : memref<640x16xf32, #tpu.memory_space<vmem_shared>>)
        tpu.yield
      }) : () -> ()
    } else {
    }
    %dma_wait3A = tpu.memref_slice %arg3[%mul3A_2] : memref<160000xi32, #tpu.memory_space<hbm>> -> memref<5000xi32, #tpu.memory_space<hbm>>
    %dma_wait3A_14 = tpu.memref_slice %arg3[%mul3A_2] : memref<160000xi32, #tpu.memory_space<hbm>> -> memref<5000xi32, #tpu.memory_space<hbm>>
    tpu.wait_dma2 semaphore(%arg14 : memref<!tpu.dma_semaphore, #tpu.memory_space<semaphore_mem>>) src(%dma_wait3A_14 : memref<5000xi32, #tpu.memory_space<hbm>>) dst(%arg7 : memref<5000xi32, #tpu.memory_space<vmem>>)
    %dma_wait3A_15 = tpu.memref_slice %arg4[%mul3A_2] : memref<160000xi32, #tpu.memory_space<hbm>> -> memref<5000xi32, #tpu.memory_space<hbm>>
    %dma_wait3A_16 = tpu.memref_slice %arg4[%mul3A_2] : memref<160000xi32, #tpu.memory_space<hbm>> -> memref<5000xi32, #tpu.memory_space<hbm>>
    tpu.wait_dma2 semaphore(%arg15 : memref<!tpu.dma_semaphore, #tpu.memory_space<semaphore_mem>>) src(%dma_wait3A_16 : memref<5000xi32, #tpu.memory_space<hbm>>) dst(%arg8 : memref<5000xi32, #tpu.memory_space<vmem>>)
    %barrier3A = arith.constant 0 : index
    tpu.barrier barrier_id(%barrier3A)
    %dma_start3A_17 = arith.constant 0 : i32
    %dma_start3A_18 = arith.constant 0 : i32
    %dma_start3A_19 = tpu.memref_slice %arg12[%dma_start3A_17, %dma_start3A_18] : memref<10240x16xf32, #tpu.memory_space<vmem_shared>> -> memref<10240x16xf32, #tpu.memory_space<vmem_shared>>
    tpu.enqueue_indirect_dma source(%dma_start3A_19 : memref<10240x16xf32, #tpu.memory_space<vmem_shared>>) target(%arg9 : memref<5000x16xf32, #tpu.memory_space<vmem>>) offsets(%arg7 : memref<5000xi32, #tpu.memory_space<vmem>>) semaphore(%arg13 : memref<!tpu.dma_semaphore, #tpu.memory_space<semaphore_mem>>)
    %dma_wait3A_20 = arith.constant 0 : i32
    %dma_wait3A_21 = arith.constant 0 : i32
    %dma_wait3A_22 = tpu.memref_slice %arg12[%dma_wait3A_20, %dma_wait3A_21] : memref<10240x16xf32, #tpu.memory_space<vmem_shared>> -> memref<10240x16xf32, #tpu.memory_space<vmem_shared>>
    tpu.wait_indirect_dma semaphore(%arg13 : memref<!tpu.dma_semaphore, #tpu.memory_space<semaphore_mem>>) src(%dma_wait3A_22 : memref<10240x16xf32, #tpu.memory_space<vmem_shared>>) dst(%arg9 : memref<5000x16xf32, #tpu.memory_space<vmem>>)
    "tpu.region"() ({
      %run_scoped3A = tpu.sem_alloc : memref<!tpu.dma_semaphore, #tpu.memory_space<semaphore_mem>>
      %dma_start3A_34 = arith.constant 0 : i32
      %dma_start3A_35 = arith.constant 0 : i32
      %dma_start3A_36 = tpu.memref_slice %arg11[%dma_start3A_34, %dma_start3A_35] : memref<10240x16xf32, #tpu.memory_space<vmem_shared>> -> memref<10240x16xf32, #tpu.memory_space<vmem_shared>>
      tpu.enqueue_indirect_dma source(%arg9 : memref<5000x16xf32, #tpu.memory_space<vmem>>) target(%dma_start3A_36 : memref<10240x16xf32, #tpu.memory_space<vmem_shared>>) offsets(%arg8 : memref<5000xi32, #tpu.memory_space<vmem>>) semaphore(%run_scoped3A : memref<!tpu.dma_semaphore, #tpu.memory_space<semaphore_mem>>) {add = true}
      %dma_wait3A_37 = arith.constant 0 : i32
      %dma_wait3A_38 = arith.constant 0 : i32
      %dma_wait3A_39 = tpu.memref_slice %arg11[%dma_wait3A_37, %dma_wait3A_38] : memref<10240x16xf32, #tpu.memory_space<vmem_shared>> -> memref<10240x16xf32, #tpu.memory_space<vmem_shared>>
      tpu.wait_indirect_dma semaphore(%run_scoped3A : memref<!tpu.dma_semaphore, #tpu.memory_space<semaphore_mem>>) src(%arg9 : memref<5000x16xf32, #tpu.memory_space<vmem>>) dst(%dma_wait3A_39 : memref<10240x16xf32, #tpu.memory_space<vmem_shared>>)
      tpu.yield
    }) : () -> ()
    %barrier3A_23 = arith.constant 0 : index
    tpu.barrier barrier_id(%barrier3A_23)
    "tpu.region"() ({
      %run_scoped3A = tpu.sem_alloc : memref<!tpu.dma_semaphore, #tpu.memory_space<semaphore_mem>>
      %dma_start3A_34 = arith.constant 0 : i32
      %dma_start3A_35 = tpu.memref_slice %arg11[%mul3A_4, %dma_start3A_34] : memref<10240x16xf32, #tpu.memory_space<vmem_shared>> -> memref<640x16xf32, #tpu.memory_space<vmem_shared>>
      %dma_start3A_36 = arith.constant 0 : i32
      %dma_start3A_37 = tpu.memref_slice %arg11[%mul3A_4, %dma_start3A_36] : memref<10240x16xf32, #tpu.memory_space<vmem_shared>> -> memref<640x16xf32, #tpu.memory_space<vmem_shared>>
      tpu.enqueue_dma source(%dma_start3A_37 : memref<640x16xf32, #tpu.memory_space<vmem_shared>>) target(%arg10 : memref<640x16xf32, #tpu.memory_space<vmem>>) target_semaphore(%run_scoped3A : memref<!tpu.dma_semaphore, #tpu.memory_space<semaphore_mem>>)
      %dma_wait3A_38 = arith.constant 0 : i32
      %dma_wait3A_39 = tpu.memref_slice %arg11[%mul3A_4, %dma_wait3A_38] : memref<10240x16xf32, #tpu.memory_space<vmem_shared>> -> memref<640x16xf32, #tpu.memory_space<vmem_shared>>
      %dma_wait3A_40 = arith.constant 0 : i32
      %dma_wait3A_41 = tpu.memref_slice %arg11[%mul3A_4, %dma_wait3A_40] : memref<10240x16xf32, #tpu.memory_space<vmem_shared>> -> memref<640x16xf32, #tpu.memory_space<vmem_shared>>
      tpu.wait_dma2 semaphore(%run_scoped3A : memref<!tpu.dma_semaphore, #tpu.memory_space<semaphore_mem>>) src(%dma_wait3A_41 : memref<640x16xf32, #tpu.memory_space<vmem_shared>>) dst(%arg10 : memref<640x16xf32, #tpu.memory_space<vmem>>)
      tpu.yield
    }) : () -> ()
    %eq3A_24 = arith.constant 0 : i32
    %eq3A_25 = arith.cmpi eq, %arg0, %eq3A_24 : i32
    %convert_element_type3A_26 = arith.extui %eq3A_25 : i1 to i32
    %cond3A_27 = arith.constant 0 : i32
    %cond3A_28 = arith.cmpi ne, %convert_element_type3A_26, %cond3A_27 : i32
    scf.if %cond3A_28 {
      "tpu.region"() ({
        %run_scoped3A = tpu.sem_alloc : memref<!tpu.dma_semaphore, #tpu.memory_space<semaphore_mem>>
        %dma_start3A_34 = arith.constant 0 : i32
        %dma_start3A_35 = tpu.memref_slice %arg5[%mul3A_4, %dma_start3A_34] : memref<10240x16xf32, #tpu.memory_space<hbm>> -> memref<640x16xf32, #tpu.memory_space<hbm>>
        %dma_start3A_36 = arith.constant 0 : i32
        %dma_start3A_37 = tpu.memref_slice %arg5[%mul3A_4, %dma_start3A_36] : memref<10240x16xf32, #tpu.memory_space<hbm>> -> memref<640x16xf32, #tpu.memory_space<hbm>>
        tpu.enqueue_dma source(%arg10 : memref<640x16xf32, #tpu.memory_space<vmem>>) target(%dma_start3A_37 : memref<640x16xf32, #tpu.memory_space<hbm>>) target_semaphore(%run_scoped3A : memref<!tpu.dma_semaphore, #tpu.memory_space<semaphore_mem>>)
        %dma_wait3A_38 = arith.constant 0 : i32
        %dma_wait3A_39 = tpu.memref_slice %arg5[%mul3A_4, %dma_wait3A_38] : memref<10240x16xf32, #tpu.memory_space<hbm>> -> memref<640x16xf32, #tpu.memory_space<hbm>>
        %dma_wait3A_40 = arith.constant 0 : i32
        %dma_wait3A_41 = tpu.memref_slice %arg5[%mul3A_4, %dma_wait3A_40] : memref<10240x16xf32, #tpu.memory_space<hbm>> -> memref<640x16xf32, #tpu.memory_space<hbm>>
        tpu.wait_dma2 semaphore(%run_scoped3A : memref<!tpu.dma_semaphore, #tpu.memory_space<semaphore_mem>>) src(%arg10 : memref<640x16xf32, #tpu.memory_space<vmem>>) dst(%dma_wait3A_41 : memref<640x16xf32, #tpu.memory_space<hbm>>)
        tpu.yield
      }) : () -> ()
    } else {
    }
    %ne3A_29 = arith.constant 0 : i32
    %ne3A_30 = arith.cmpi ne, %arg0, %ne3A_29 : i32
    %convert_element_type3A_31 = arith.extui %ne3A_30 : i1 to i32
    %cond3A_32 = arith.constant 0 : i32
    %cond3A_33 = arith.cmpi ne, %convert_element_type3A_31, %cond3A_32 : i32
    scf.if %cond3A_33 {
      "tpu.region"() ({
        %run_scoped3A = tpu.sem_alloc : memref<!tpu.dma_semaphore, #tpu.memory_space<semaphore_mem>>
        %dma_start3A_34 = arith.constant 0 : i32
        %dma_start3A_35 = tpu.memref_slice %arg6[%mul3A_4, %dma_start3A_34] : memref<10240x16xf32, #tpu.memory_space<hbm>> -> memref<640x16xf32, #tpu.memory_space<hbm>>
        %dma_start3A_36 = arith.constant 0 : i32
        %dma_start3A_37 = tpu.memref_slice %arg6[%mul3A_4, %dma_start3A_36] : memref<10240x16xf32, #tpu.memory_space<hbm>> -> memref<640x16xf32, #tpu.memory_space<hbm>>
        tpu.enqueue_dma source(%arg10 : memref<640x16xf32, #tpu.memory_space<vmem>>) target(%dma_start3A_37 : memref<640x16xf32, #tpu.memory_space<hbm>>) target_semaphore(%run_scoped3A : memref<!tpu.dma_semaphore, #tpu.memory_space<semaphore_mem>>)
        %dma_wait3A_38 = arith.constant 0 : i32
        %dma_wait3A_39 = tpu.memref_slice %arg6[%mul3A_4, %dma_wait3A_38] : memref<10240x16xf32, #tpu.memory_space<hbm>> -> memref<640x16xf32, #tpu.memory_space<hbm>>
        %dma_wait3A_40 = arith.constant 0 : i32
        %dma_wait3A_41 = tpu.memref_slice %arg6[%mul3A_4, %dma_wait3A_40] : memref<10240x16xf32, #tpu.memory_space<hbm>> -> memref<640x16xf32, #tpu.memory_space<hbm>>
        tpu.wait_dma2 semaphore(%run_scoped3A : memref<!tpu.dma_semaphore, #tpu.memory_space<semaphore_mem>>) src(%arg10 : memref<640x16xf32, #tpu.memory_space<vmem>>) dst(%dma_wait3A_41 : memref<640x16xf32, #tpu.memory_space<hbm>>)
        tpu.yield
      }) : () -> ()
    } else {
    }
    return
  }
}

#map = affine_map<(d0, d1) -> (0, 0)>
#map1 = affine_map<(d0, d1) -> (0)>
module attributes {stable_mosaic.version = 14 : i64} {
  func.func @_sc_edge_gather(%arg0: i32, %arg1: i32, %arg2: memref<10240x16xf32, #tpu.memory_space<hbm>>, %arg3: memref<10240x16xf32, #tpu.memory_space<hbm>>, %arg4: memref<160000xi32, #tpu.memory_space<hbm>>, %arg5: memref<160000xi32, #tpu.memory_space<hbm>>, %arg6: memref<20000x128xf32, #tpu.memory_space<hbm>>, %arg7: memref<20000x128xf32, #tpu.memory_space<hbm>>, %arg8: memref<5000xi32, #tpu.memory_space<vmem>>, %arg9: memref<5000xi32, #tpu.memory_space<vmem>>, %arg10: memref<5000x16xf32, #tpu.memory_space<vmem>>, %arg11: memref<640x16xf32, #tpu.memory_space<vmem>>, %arg12: memref<10240x16xf32, #tpu.memory_space<vmem_shared>>, %arg13: memref<10240x16xf32, #tpu.memory_space<vmem_shared>>, %arg14: memref<!tpu.dma_semaphore, #tpu.memory_space<semaphore_mem>>) attributes {dimension_semantics = [#tpu.dimension_semantics<core_parallel>, #tpu.dimension_semantics<subcore_parallel>], iteration_bounds = array<i64: 2, 16>, scalar_prefetch = 0 : i64, scratch_operands = 7 : i64, tpu.core_type = #tpu.core_type<sc_vector_subcore>, window_params = [{transform_indices = #map}, {transform_indices = #map}, {transform_indices = #map1}, {transform_indices = #map1}, {transform_indices = #map}, {transform_indices = #map}]} {
    %mul3A = arith.constant 16 : i32
    %mul3A_0 = arith.muli %arg0, %mul3A : i32
    %add3A = arith.addi %mul3A_0, %arg1 : i32
    %mul3A_1 = arith.constant 5000 : i32
    %mul3A_2 = arith.muli %add3A, %mul3A_1 : i32
    %jit3A = arith.constant 4 : i32
    %div3A = arith.divsi %add3A, %jit3A : i32
    %sign3A = arith.constant 0 : i32
    %sign3A_3 = arith.cmpi sgt, %add3A, %sign3A : i32
    %sign3A_4 = arith.extui %sign3A_3 : i1 to i32
    %sign3A_5 = arith.constant 0 : i32
    %sign3A_6 = arith.cmpi slt, %add3A, %sign3A_5 : i32
    %sign3A_7 = arith.extui %sign3A_6 : i1 to i32
    %sign3A_8 = arith.subi %sign3A_4, %sign3A_7 : i32
    %sign3A_9 = arith.constant 0 : i32
    %sign3A_10 = arith.cmpi sgt, %jit3A, %sign3A_9 : i32
    %sign3A_11 = arith.extui %sign3A_10 : i1 to i32
    %sign3A_12 = arith.constant 0 : i32
    %sign3A_13 = arith.cmpi slt, %jit3A, %sign3A_12 : i32
    %sign3A_14 = arith.extui %sign3A_13 : i1 to i32
    %sign3A_15 = arith.subi %sign3A_11, %sign3A_14 : i32
    %ne3A = arith.cmpi ne, %sign3A_8, %sign3A_15 : i32
    %rem3A = arith.remsi %add3A, %jit3A : i32
    %ne3A_16 = arith.constant 0 : i32
    %ne3A_17 = arith.cmpi ne, %rem3A, %ne3A_16 : i32
    %and3A = arith.andi %ne3A, %ne3A_17 : i1
    %sub3A = arith.constant 1 : i32
    %sub3A_18 = arith.subi %div3A, %sub3A : i32
    %select_n3A = arith.select %and3A, %sub3A_18, %div3A : i32
    %jit3A_19 = arith.constant 4 : i32
    %eq3A = arith.constant 0 : i32
    %eq3A_20 = arith.cmpi eq, %jit3A_19, %eq3A : i32
    %jit3A_21 = arith.constant 1 : i32
    %select_n3A_22 = arith.select %eq3A_20, %jit3A_21, %jit3A_19 : i32
    %rem3A_23 = arith.remsi %add3A, %select_n3A_22 : i32
    %ne3A_24 = arith.constant 0 : i32
    %ne3A_25 = arith.cmpi ne, %rem3A_23, %ne3A_24 : i32
    %lt3A = arith.constant 0 : i32
    %lt3A_26 = arith.cmpi slt, %rem3A_23, %lt3A : i32
    %lt3A_27 = arith.constant 0 : i32
    %lt3A_28 = arith.cmpi slt, %select_n3A_22, %lt3A_27 : i32
    %ne3A_29 = arith.xori %lt3A_26, %lt3A_28 : i1
    %and3A_30 = arith.andi %ne3A_29, %ne3A_25 : i1
    %add3A_31 = arith.addi %rem3A_23, %select_n3A_22 : i32
    %select_n3A_32 = arith.select %and3A_30, %add3A_31, %rem3A_23 : i32
    %mul3A_33 = arith.constant 5000 : i32
    %mul3A_34 = arith.muli %select_n3A_32, %mul3A_33 : i32
    "tpu.region"() ({
      %run_scoped3A = tpu.sem_alloc : memref<!tpu.dma_semaphore, #tpu.memory_space<semaphore_mem>>
      %dma_start3A_125 = tpu.memref_slice %arg4[%mul3A_2] : memref<160000xi32, #tpu.memory_space<hbm>> -> memref<5000xi32, #tpu.memory_space<hbm>>
      %dma_start3A_126 = tpu.memref_slice %arg4[%mul3A_2] : memref<160000xi32, #tpu.memory_space<hbm>> -> memref<5000xi32, #tpu.memory_space<hbm>>
      tpu.enqueue_dma source(%dma_start3A_126 : memref<5000xi32, #tpu.memory_space<hbm>>) target(%arg8 : memref<5000xi32, #tpu.memory_space<vmem>>) target_semaphore(%run_scoped3A : memref<!tpu.dma_semaphore, #tpu.memory_space<semaphore_mem>>)
      %dma_wait3A_127 = tpu.memref_slice %arg4[%mul3A_2] : memref<160000xi32, #tpu.memory_space<hbm>> -> memref<5000xi32, #tpu.memory_space<hbm>>
      %dma_wait3A_128 = tpu.memref_slice %arg4[%mul3A_2] : memref<160000xi32, #tpu.memory_space<hbm>> -> memref<5000xi32, #tpu.memory_space<hbm>>
      tpu.wait_dma2 semaphore(%run_scoped3A : memref<!tpu.dma_semaphore, #tpu.memory_space<semaphore_mem>>) src(%dma_wait3A_128 : memref<5000xi32, #tpu.memory_space<hbm>>) dst(%arg8 : memref<5000xi32, #tpu.memory_space<vmem>>)
      tpu.yield
    }) : () -> ()
    "tpu.region"() ({
      %run_scoped3A = tpu.sem_alloc : memref<!tpu.dma_semaphore, #tpu.memory_space<semaphore_mem>>
      %dma_start3A_125 = tpu.memref_slice %arg5[%mul3A_2] : memref<160000xi32, #tpu.memory_space<hbm>> -> memref<5000xi32, #tpu.memory_space<hbm>>
      %dma_start3A_126 = tpu.memref_slice %arg5[%mul3A_2] : memref<160000xi32, #tpu.memory_space<hbm>> -> memref<5000xi32, #tpu.memory_space<hbm>>
      tpu.enqueue_dma source(%dma_start3A_126 : memref<5000xi32, #tpu.memory_space<hbm>>) target(%arg9 : memref<5000xi32, #tpu.memory_space<vmem>>) target_semaphore(%run_scoped3A : memref<!tpu.dma_semaphore, #tpu.memory_space<semaphore_mem>>)
      %dma_wait3A_127 = tpu.memref_slice %arg5[%mul3A_2] : memref<160000xi32, #tpu.memory_space<hbm>> -> memref<5000xi32, #tpu.memory_space<hbm>>
      %dma_wait3A_128 = tpu.memref_slice %arg5[%mul3A_2] : memref<160000xi32, #tpu.memory_space<hbm>> -> memref<5000xi32, #tpu.memory_space<hbm>>
      tpu.wait_dma2 semaphore(%run_scoped3A : memref<!tpu.dma_semaphore, #tpu.memory_space<semaphore_mem>>) src(%dma_wait3A_128 : memref<5000xi32, #tpu.memory_space<hbm>>) dst(%arg9 : memref<5000xi32, #tpu.memory_space<vmem>>)
      tpu.yield
    }) : () -> ()
    %mul3A_35 = arith.constant 640 : i32
    %mul3A_36 = arith.muli %arg1, %mul3A_35 : i32
    "tpu.region"() ({
      %run_scoped3A = tpu.sem_alloc : memref<!tpu.dma_semaphore, #tpu.memory_space<semaphore_mem>>
      %dma_start3A_125 = arith.constant 0 : i32
      %dma_start3A_126 = tpu.memref_slice %arg2[%mul3A_36, %dma_start3A_125] : memref<10240x16xf32, #tpu.memory_space<hbm>> -> memref<640x16xf32, #tpu.memory_space<hbm>>
      %dma_start3A_127 = arith.constant 0 : i32
      %dma_start3A_128 = tpu.memref_slice %arg2[%mul3A_36, %dma_start3A_127] : memref<10240x16xf32, #tpu.memory_space<hbm>> -> memref<640x16xf32, #tpu.memory_space<hbm>>
      tpu.enqueue_dma source(%dma_start3A_128 : memref<640x16xf32, #tpu.memory_space<hbm>>) target(%arg11 : memref<640x16xf32, #tpu.memory_space<vmem>>) target_semaphore(%run_scoped3A : memref<!tpu.dma_semaphore, #tpu.memory_space<semaphore_mem>>)
      %dma_wait3A_129 = arith.constant 0 : i32
      %dma_wait3A_130 = tpu.memref_slice %arg2[%mul3A_36, %dma_wait3A_129] : memref<10240x16xf32, #tpu.memory_space<hbm>> -> memref<640x16xf32, #tpu.memory_space<hbm>>
      %dma_wait3A_131 = arith.constant 0 : i32
      %dma_wait3A_132 = tpu.memref_slice %arg2[%mul3A_36, %dma_wait3A_131] : memref<10240x16xf32, #tpu.memory_space<hbm>> -> memref<640x16xf32, #tpu.memory_space<hbm>>
      tpu.wait_dma2 semaphore(%run_scoped3A : memref<!tpu.dma_semaphore, #tpu.memory_space<semaphore_mem>>) src(%dma_wait3A_132 : memref<640x16xf32, #tpu.memory_space<hbm>>) dst(%arg11 : memref<640x16xf32, #tpu.memory_space<vmem>>)
      tpu.yield
    }) : () -> ()
    "tpu.region"() ({
      %run_scoped3A = tpu.sem_alloc : memref<!tpu.dma_semaphore, #tpu.memory_space<semaphore_mem>>
      %dma_start3A_125 = arith.constant 0 : i32
      %dma_start3A_126 = tpu.memref_slice %arg12[%mul3A_36, %dma_start3A_125] : memref<10240x16xf32, #tpu.memory_space<vmem_shared>> -> memref<640x16xf32, #tpu.memory_space<vmem_shared>>
      %dma_start3A_127 = arith.constant 0 : i32
      %dma_start3A_128 = tpu.memref_slice %arg12[%mul3A_36, %dma_start3A_127] : memref<10240x16xf32, #tpu.memory_space<vmem_shared>> -> memref<640x16xf32, #tpu.memory_space<vmem_shared>>
      tpu.enqueue_dma source(%arg11 : memref<640x16xf32, #tpu.memory_space<vmem>>) target(%dma_start3A_128 : memref<640x16xf32, #tpu.memory_space<vmem_shared>>) target_semaphore(%run_scoped3A : memref<!tpu.dma_semaphore, #tpu.memory_space<semaphore_mem>>)
      %dma_wait3A_129 = arith.constant 0 : i32
      %dma_wait3A_130 = tpu.memref_slice %arg12[%mul3A_36, %dma_wait3A_129] : memref<10240x16xf32, #tpu.memory_space<vmem_shared>> -> memref<640x16xf32, #tpu.memory_space<vmem_shared>>
      %dma_wait3A_131 = arith.constant 0 : i32
      %dma_wait3A_132 = tpu.memref_slice %arg12[%mul3A_36, %dma_wait3A_131] : memref<10240x16xf32, #tpu.memory_space<vmem_shared>> -> memref<640x16xf32, #tpu.memory_space<vmem_shared>>
      tpu.wait_dma2 semaphore(%run_scoped3A : memref<!tpu.dma_semaphore, #tpu.memory_space<semaphore_mem>>) src(%arg11 : memref<640x16xf32, #tpu.memory_space<vmem>>) dst(%dma_wait3A_132 : memref<640x16xf32, #tpu.memory_space<vmem_shared>>)
      tpu.yield
    }) : () -> ()
    "tpu.region"() ({
      %run_scoped3A = tpu.sem_alloc : memref<!tpu.dma_semaphore, #tpu.memory_space<semaphore_mem>>
      %dma_start3A_125 = arith.constant 0 : i32
      %dma_start3A_126 = tpu.memref_slice %arg3[%mul3A_36, %dma_start3A_125] : memref<10240x16xf32, #tpu.memory_space<hbm>> -> memref<640x16xf32, #tpu.memory_space<hbm>>
      %dma_start3A_127 = arith.constant 0 : i32
      %dma_start3A_128 = tpu.memref_slice %arg3[%mul3A_36, %dma_start3A_127] : memref<10240x16xf32, #tpu.memory_space<hbm>> -> memref<640x16xf32, #tpu.memory_space<hbm>>
      tpu.enqueue_dma source(%dma_start3A_128 : memref<640x16xf32, #tpu.memory_space<hbm>>) target(%arg11 : memref<640x16xf32, #tpu.memory_space<vmem>>) target_semaphore(%run_scoped3A : memref<!tpu.dma_semaphore, #tpu.memory_space<semaphore_mem>>)
      %dma_wait3A_129 = arith.constant 0 : i32
      %dma_wait3A_130 = tpu.memref_slice %arg3[%mul3A_36, %dma_wait3A_129] : memref<10240x16xf32, #tpu.memory_space<hbm>> -> memref<640x16xf32, #tpu.memory_space<hbm>>
      %dma_wait3A_131 = arith.constant 0 : i32
      %dma_wait3A_132 = tpu.memref_slice %arg3[%mul3A_36, %dma_wait3A_131] : memref<10240x16xf32, #tpu.memory_space<hbm>> -> memref<640x16xf32, #tpu.memory_space<hbm>>
      tpu.wait_dma2 semaphore(%run_scoped3A : memref<!tpu.dma_semaphore, #tpu.memory_space<semaphore_mem>>) src(%dma_wait3A_132 : memref<640x16xf32, #tpu.memory_space<hbm>>) dst(%arg11 : memref<640x16xf32, #tpu.memory_space<vmem>>)
      tpu.yield
    }) : () -> ()
    "tpu.region"() ({
      %run_scoped3A = tpu.sem_alloc : memref<!tpu.dma_semaphore, #tpu.memory_space<semaphore_mem>>
      %dma_start3A_125 = arith.constant 0 : i32
      %dma_start3A_126 = tpu.memref_slice %arg13[%mul3A_36, %dma_start3A_125] : memref<10240x16xf32, #tpu.memory_space<vmem_shared>> -> memref<640x16xf32, #tpu.memory_space<vmem_shared>>
      %dma_start3A_127 = arith.constant 0 : i32
      %dma_start3A_128 = tpu.memref_slice %arg13[%mul3A_36, %dma_start3A_127] : memref<10240x16xf32, #tpu.memory_space<vmem_shared>> -> memref<640x16xf32, #tpu.memory_space<vmem_shared>>
      tpu.enqueue_dma source(%arg11 : memref<640x16xf32, #tpu.memory_space<vmem>>) target(%dma_start3A_128 : memref<640x16xf32, #tpu.memory_space<vmem_shared>>) target_semaphore(%run_scoped3A : memref<!tpu.dma_semaphore, #tpu.memory_space<semaphore_mem>>)
      %dma_wait3A_129 = arith.constant 0 : i32
      %dma_wait3A_130 = tpu.memref_slice %arg13[%mul3A_36, %dma_wait3A_129] : memref<10240x16xf32, #tpu.memory_space<vmem_shared>> -> memref<640x16xf32, #tpu.memory_space<vmem_shared>>
      %dma_wait3A_131 = arith.constant 0 : i32
      %dma_wait3A_132 = tpu.memref_slice %arg13[%mul3A_36, %dma_wait3A_131] : memref<10240x16xf32, #tpu.memory_space<vmem_shared>> -> memref<640x16xf32, #tpu.memory_space<vmem_shared>>
      tpu.wait_dma2 semaphore(%run_scoped3A : memref<!tpu.dma_semaphore, #tpu.memory_space<semaphore_mem>>) src(%arg11 : memref<640x16xf32, #tpu.memory_space<vmem>>) dst(%dma_wait3A_132 : memref<640x16xf32, #tpu.memory_space<vmem_shared>>)
      tpu.yield
    }) : () -> ()
    %barrier3A = arith.constant 0 : index
    tpu.barrier barrier_id(%barrier3A)
    %dma_start3A = arith.constant 0 : i32
    %dma_start3A_37 = arith.constant 0 : i32
    %dma_start3A_38 = tpu.memref_slice %arg12[%dma_start3A, %dma_start3A_37] : memref<10240x16xf32, #tpu.memory_space<vmem_shared>> -> memref<10240x16xf32, #tpu.memory_space<vmem_shared>>
    tpu.enqueue_indirect_dma source(%dma_start3A_38 : memref<10240x16xf32, #tpu.memory_space<vmem_shared>>) target(%arg10 : memref<5000x16xf32, #tpu.memory_space<vmem>>) offsets(%arg8 : memref<5000xi32, #tpu.memory_space<vmem>>) semaphore(%arg14 : memref<!tpu.dma_semaphore, #tpu.memory_space<semaphore_mem>>)
    %dma_wait3A = arith.constant 0 : i32
    %dma_wait3A_39 = arith.constant 0 : i32
    %dma_wait3A_40 = tpu.memref_slice %arg12[%dma_wait3A, %dma_wait3A_39] : memref<10240x16xf32, #tpu.memory_space<vmem_shared>> -> memref<10240x16xf32, #tpu.memory_space<vmem_shared>>
    tpu.wait_indirect_dma semaphore(%arg14 : memref<!tpu.dma_semaphore, #tpu.memory_space<semaphore_mem>>) src(%dma_wait3A_40 : memref<10240x16xf32, #tpu.memory_space<vmem_shared>>) dst(%arg10 : memref<5000x16xf32, #tpu.memory_space<vmem>>)
    %eq3A_41 = arith.constant 0 : i32
    %eq3A_42 = arith.cmpi eq, %select_n3A, %eq3A_41 : i32
    %convert_element_type3A = arith.extui %eq3A_42 : i1 to i32
    %cond3A = arith.constant 0 : i32
    %cond3A_43 = arith.cmpi ne, %convert_element_type3A, %cond3A : i32
    scf.if %cond3A_43 {
      "tpu.region"() ({
        %run_scoped3A = tpu.sem_alloc : memref<!tpu.dma_semaphore, #tpu.memory_space<semaphore_mem>>
        %dma_start3A_125 = arith.constant 0 : i32
        %dma_start3A_126 = tpu.memref_slice %arg6[%mul3A_34, %dma_start3A_125] : memref<20000x128xf32, #tpu.memory_space<hbm>> -> memref<5000x16xf32, #tpu.memory_space<hbm>>
        %dma_start3A_127 = arith.constant 0 : i32
        %dma_start3A_128 = tpu.memref_slice %arg6[%mul3A_34, %dma_start3A_127] : memref<20000x128xf32, #tpu.memory_space<hbm>> -> memref<5000x16xf32, #tpu.memory_space<hbm>>
        tpu.enqueue_dma source(%arg10 : memref<5000x16xf32, #tpu.memory_space<vmem>>) target(%dma_start3A_128 : memref<5000x16xf32, #tpu.memory_space<hbm>>) target_semaphore(%run_scoped3A : memref<!tpu.dma_semaphore, #tpu.memory_space<semaphore_mem>>)
        %dma_wait3A_129 = arith.constant 0 : i32
        %dma_wait3A_130 = tpu.memref_slice %arg6[%mul3A_34, %dma_wait3A_129] : memref<20000x128xf32, #tpu.memory_space<hbm>> -> memref<5000x16xf32, #tpu.memory_space<hbm>>
        %dma_wait3A_131 = arith.constant 0 : i32
        %dma_wait3A_132 = tpu.memref_slice %arg6[%mul3A_34, %dma_wait3A_131] : memref<20000x128xf32, #tpu.memory_space<hbm>> -> memref<5000x16xf32, #tpu.memory_space<hbm>>
        tpu.wait_dma2 semaphore(%run_scoped3A : memref<!tpu.dma_semaphore, #tpu.memory_space<semaphore_mem>>) src(%arg10 : memref<5000x16xf32, #tpu.memory_space<vmem>>) dst(%dma_wait3A_132 : memref<5000x16xf32, #tpu.memory_space<hbm>>)
        tpu.yield
      }) : () -> ()
    } else {
    }
    %eq3A_44 = arith.constant 1 : i32
    %eq3A_45 = arith.cmpi eq, %select_n3A, %eq3A_44 : i32
    %convert_element_type3A_46 = arith.extui %eq3A_45 : i1 to i32
    %cond3A_47 = arith.constant 0 : i32
    %cond3A_48 = arith.cmpi ne, %convert_element_type3A_46, %cond3A_47 : i32
    scf.if %cond3A_48 {
      "tpu.region"() ({
        %run_scoped3A = tpu.sem_alloc : memref<!tpu.dma_semaphore, #tpu.memory_space<semaphore_mem>>
        %dma_start3A_125 = arith.constant 16 : i32
        %dma_start3A_126 = tpu.memref_slice %arg6[%mul3A_34, %dma_start3A_125] : memref<20000x128xf32, #tpu.memory_space<hbm>> -> memref<5000x16xf32, #tpu.memory_space<hbm>>
        %dma_start3A_127 = arith.constant 16 : i32
        %dma_start3A_128 = tpu.memref_slice %arg6[%mul3A_34, %dma_start3A_127] : memref<20000x128xf32, #tpu.memory_space<hbm>> -> memref<5000x16xf32, #tpu.memory_space<hbm>>
        tpu.enqueue_dma source(%arg10 : memref<5000x16xf32, #tpu.memory_space<vmem>>) target(%dma_start3A_128 : memref<5000x16xf32, #tpu.memory_space<hbm>>) target_semaphore(%run_scoped3A : memref<!tpu.dma_semaphore, #tpu.memory_space<semaphore_mem>>)
        %dma_wait3A_129 = arith.constant 16 : i32
        %dma_wait3A_130 = tpu.memref_slice %arg6[%mul3A_34, %dma_wait3A_129] : memref<20000x128xf32, #tpu.memory_space<hbm>> -> memref<5000x16xf32, #tpu.memory_space<hbm>>
        %dma_wait3A_131 = arith.constant 16 : i32
        %dma_wait3A_132 = tpu.memref_slice %arg6[%mul3A_34, %dma_wait3A_131] : memref<20000x128xf32, #tpu.memory_space<hbm>> -> memref<5000x16xf32, #tpu.memory_space<hbm>>
        tpu.wait_dma2 semaphore(%run_scoped3A : memref<!tpu.dma_semaphore, #tpu.memory_space<semaphore_mem>>) src(%arg10 : memref<5000x16xf32, #tpu.memory_space<vmem>>) dst(%dma_wait3A_132 : memref<5000x16xf32, #tpu.memory_space<hbm>>)
        tpu.yield
      }) : () -> ()
    } else {
    }
    %eq3A_49 = arith.constant 2 : i32
    %eq3A_50 = arith.cmpi eq, %select_n3A, %eq3A_49 : i32
    %convert_element_type3A_51 = arith.extui %eq3A_50 : i1 to i32
    %cond3A_52 = arith.constant 0 : i32
    %cond3A_53 = arith.cmpi ne, %convert_element_type3A_51, %cond3A_52 : i32
    scf.if %cond3A_53 {
      "tpu.region"() ({
        %run_scoped3A = tpu.sem_alloc : memref<!tpu.dma_semaphore, #tpu.memory_space<semaphore_mem>>
        %dma_start3A_125 = arith.constant 32 : i32
        %dma_start3A_126 = tpu.memref_slice %arg6[%mul3A_34, %dma_start3A_125] : memref<20000x128xf32, #tpu.memory_space<hbm>> -> memref<5000x16xf32, #tpu.memory_space<hbm>>
        %dma_start3A_127 = arith.constant 32 : i32
        %dma_start3A_128 = tpu.memref_slice %arg6[%mul3A_34, %dma_start3A_127] : memref<20000x128xf32, #tpu.memory_space<hbm>> -> memref<5000x16xf32, #tpu.memory_space<hbm>>
        tpu.enqueue_dma source(%arg10 : memref<5000x16xf32, #tpu.memory_space<vmem>>) target(%dma_start3A_128 : memref<5000x16xf32, #tpu.memory_space<hbm>>) target_semaphore(%run_scoped3A : memref<!tpu.dma_semaphore, #tpu.memory_space<semaphore_mem>>)
        %dma_wait3A_129 = arith.constant 32 : i32
        %dma_wait3A_130 = tpu.memref_slice %arg6[%mul3A_34, %dma_wait3A_129] : memref<20000x128xf32, #tpu.memory_space<hbm>> -> memref<5000x16xf32, #tpu.memory_space<hbm>>
        %dma_wait3A_131 = arith.constant 32 : i32
        %dma_wait3A_132 = tpu.memref_slice %arg6[%mul3A_34, %dma_wait3A_131] : memref<20000x128xf32, #tpu.memory_space<hbm>> -> memref<5000x16xf32, #tpu.memory_space<hbm>>
        tpu.wait_dma2 semaphore(%run_scoped3A : memref<!tpu.dma_semaphore, #tpu.memory_space<semaphore_mem>>) src(%arg10 : memref<5000x16xf32, #tpu.memory_space<vmem>>) dst(%dma_wait3A_132 : memref<5000x16xf32, #tpu.memory_space<hbm>>)
        tpu.yield
      }) : () -> ()
    } else {
    }
    %eq3A_54 = arith.constant 3 : i32
    %eq3A_55 = arith.cmpi eq, %select_n3A, %eq3A_54 : i32
    %convert_element_type3A_56 = arith.extui %eq3A_55 : i1 to i32
    %cond3A_57 = arith.constant 0 : i32
    %cond3A_58 = arith.cmpi ne, %convert_element_type3A_56, %cond3A_57 : i32
    scf.if %cond3A_58 {
      "tpu.region"() ({
        %run_scoped3A = tpu.sem_alloc : memref<!tpu.dma_semaphore, #tpu.memory_space<semaphore_mem>>
        %dma_start3A_125 = arith.constant 48 : i32
        %dma_start3A_126 = tpu.memref_slice %arg6[%mul3A_34, %dma_start3A_125] : memref<20000x128xf32, #tpu.memory_space<hbm>> -> memref<5000x16xf32, #tpu.memory_space<hbm>>
        %dma_start3A_127 = arith.constant 48 : i32
        %dma_start3A_128 = tpu.memref_slice %arg6[%mul3A_34, %dma_start3A_127] : memref<20000x128xf32, #tpu.memory_space<hbm>> -> memref<5000x16xf32, #tpu.memory_space<hbm>>
        tpu.enqueue_dma source(%arg10 : memref<5000x16xf32, #tpu.memory_space<vmem>>) target(%dma_start3A_128 : memref<5000x16xf32, #tpu.memory_space<hbm>>) target_semaphore(%run_scoped3A : memref<!tpu.dma_semaphore, #tpu.memory_space<semaphore_mem>>)
        %dma_wait3A_129 = arith.constant 48 : i32
        %dma_wait3A_130 = tpu.memref_slice %arg6[%mul3A_34, %dma_wait3A_129] : memref<20000x128xf32, #tpu.memory_space<hbm>> -> memref<5000x16xf32, #tpu.memory_space<hbm>>
        %dma_wait3A_131 = arith.constant 48 : i32
        %dma_wait3A_132 = tpu.memref_slice %arg6[%mul3A_34, %dma_wait3A_131] : memref<20000x128xf32, #tpu.memory_space<hbm>> -> memref<5000x16xf32, #tpu.memory_space<hbm>>
        tpu.wait_dma2 semaphore(%run_scoped3A : memref<!tpu.dma_semaphore, #tpu.memory_space<semaphore_mem>>) src(%arg10 : memref<5000x16xf32, #tpu.memory_space<vmem>>) dst(%dma_wait3A_132 : memref<5000x16xf32, #tpu.memory_space<hbm>>)
        tpu.yield
      }) : () -> ()
    } else {
    }
    %eq3A_59 = arith.constant 4 : i32
    %eq3A_60 = arith.cmpi eq, %select_n3A, %eq3A_59 : i32
    %convert_element_type3A_61 = arith.extui %eq3A_60 : i1 to i32
    %cond3A_62 = arith.constant 0 : i32
    %cond3A_63 = arith.cmpi ne, %convert_element_type3A_61, %cond3A_62 : i32
    scf.if %cond3A_63 {
      "tpu.region"() ({
        %run_scoped3A = tpu.sem_alloc : memref<!tpu.dma_semaphore, #tpu.memory_space<semaphore_mem>>
        %dma_start3A_125 = arith.constant 64 : i32
        %dma_start3A_126 = tpu.memref_slice %arg6[%mul3A_34, %dma_start3A_125] : memref<20000x128xf32, #tpu.memory_space<hbm>> -> memref<5000x16xf32, #tpu.memory_space<hbm>>
        %dma_start3A_127 = arith.constant 64 : i32
        %dma_start3A_128 = tpu.memref_slice %arg6[%mul3A_34, %dma_start3A_127] : memref<20000x128xf32, #tpu.memory_space<hbm>> -> memref<5000x16xf32, #tpu.memory_space<hbm>>
        tpu.enqueue_dma source(%arg10 : memref<5000x16xf32, #tpu.memory_space<vmem>>) target(%dma_start3A_128 : memref<5000x16xf32, #tpu.memory_space<hbm>>) target_semaphore(%run_scoped3A : memref<!tpu.dma_semaphore, #tpu.memory_space<semaphore_mem>>)
        %dma_wait3A_129 = arith.constant 64 : i32
        %dma_wait3A_130 = tpu.memref_slice %arg6[%mul3A_34, %dma_wait3A_129] : memref<20000x128xf32, #tpu.memory_space<hbm>> -> memref<5000x16xf32, #tpu.memory_space<hbm>>
        %dma_wait3A_131 = arith.constant 64 : i32
        %dma_wait3A_132 = tpu.memref_slice %arg6[%mul3A_34, %dma_wait3A_131] : memref<20000x128xf32, #tpu.memory_space<hbm>> -> memref<5000x16xf32, #tpu.memory_space<hbm>>
        tpu.wait_dma2 semaphore(%run_scoped3A : memref<!tpu.dma_semaphore, #tpu.memory_space<semaphore_mem>>) src(%arg10 : memref<5000x16xf32, #tpu.memory_space<vmem>>) dst(%dma_wait3A_132 : memref<5000x16xf32, #tpu.memory_space<hbm>>)
        tpu.yield
      }) : () -> ()
    } else {
    }
    %eq3A_64 = arith.constant 5 : i32
    %eq3A_65 = arith.cmpi eq, %select_n3A, %eq3A_64 : i32
    %convert_element_type3A_66 = arith.extui %eq3A_65 : i1 to i32
    %cond3A_67 = arith.constant 0 : i32
    %cond3A_68 = arith.cmpi ne, %convert_element_type3A_66, %cond3A_67 : i32
    scf.if %cond3A_68 {
      "tpu.region"() ({
        %run_scoped3A = tpu.sem_alloc : memref<!tpu.dma_semaphore, #tpu.memory_space<semaphore_mem>>
        %dma_start3A_125 = arith.constant 80 : i32
        %dma_start3A_126 = tpu.memref_slice %arg6[%mul3A_34, %dma_start3A_125] : memref<20000x128xf32, #tpu.memory_space<hbm>> -> memref<5000x16xf32, #tpu.memory_space<hbm>>
        %dma_start3A_127 = arith.constant 80 : i32
        %dma_start3A_128 = tpu.memref_slice %arg6[%mul3A_34, %dma_start3A_127] : memref<20000x128xf32, #tpu.memory_space<hbm>> -> memref<5000x16xf32, #tpu.memory_space<hbm>>
        tpu.enqueue_dma source(%arg10 : memref<5000x16xf32, #tpu.memory_space<vmem>>) target(%dma_start3A_128 : memref<5000x16xf32, #tpu.memory_space<hbm>>) target_semaphore(%run_scoped3A : memref<!tpu.dma_semaphore, #tpu.memory_space<semaphore_mem>>)
        %dma_wait3A_129 = arith.constant 80 : i32
        %dma_wait3A_130 = tpu.memref_slice %arg6[%mul3A_34, %dma_wait3A_129] : memref<20000x128xf32, #tpu.memory_space<hbm>> -> memref<5000x16xf32, #tpu.memory_space<hbm>>
        %dma_wait3A_131 = arith.constant 80 : i32
        %dma_wait3A_132 = tpu.memref_slice %arg6[%mul3A_34, %dma_wait3A_131] : memref<20000x128xf32, #tpu.memory_space<hbm>> -> memref<5000x16xf32, #tpu.memory_space<hbm>>
        tpu.wait_dma2 semaphore(%run_scoped3A : memref<!tpu.dma_semaphore, #tpu.memory_space<semaphore_mem>>) src(%arg10 : memref<5000x16xf32, #tpu.memory_space<vmem>>) dst(%dma_wait3A_132 : memref<5000x16xf32, #tpu.memory_space<hbm>>)
        tpu.yield
      }) : () -> ()
    } else {
    }
    %eq3A_69 = arith.constant 6 : i32
    %eq3A_70 = arith.cmpi eq, %select_n3A, %eq3A_69 : i32
    %convert_element_type3A_71 = arith.extui %eq3A_70 : i1 to i32
    %cond3A_72 = arith.constant 0 : i32
    %cond3A_73 = arith.cmpi ne, %convert_element_type3A_71, %cond3A_72 : i32
    scf.if %cond3A_73 {
      "tpu.region"() ({
        %run_scoped3A = tpu.sem_alloc : memref<!tpu.dma_semaphore, #tpu.memory_space<semaphore_mem>>
        %dma_start3A_125 = arith.constant 96 : i32
        %dma_start3A_126 = tpu.memref_slice %arg6[%mul3A_34, %dma_start3A_125] : memref<20000x128xf32, #tpu.memory_space<hbm>> -> memref<5000x16xf32, #tpu.memory_space<hbm>>
        %dma_start3A_127 = arith.constant 96 : i32
        %dma_start3A_128 = tpu.memref_slice %arg6[%mul3A_34, %dma_start3A_127] : memref<20000x128xf32, #tpu.memory_space<hbm>> -> memref<5000x16xf32, #tpu.memory_space<hbm>>
        tpu.enqueue_dma source(%arg10 : memref<5000x16xf32, #tpu.memory_space<vmem>>) target(%dma_start3A_128 : memref<5000x16xf32, #tpu.memory_space<hbm>>) target_semaphore(%run_scoped3A : memref<!tpu.dma_semaphore, #tpu.memory_space<semaphore_mem>>)
        %dma_wait3A_129 = arith.constant 96 : i32
        %dma_wait3A_130 = tpu.memref_slice %arg6[%mul3A_34, %dma_wait3A_129] : memref<20000x128xf32, #tpu.memory_space<hbm>> -> memref<5000x16xf32, #tpu.memory_space<hbm>>
        %dma_wait3A_131 = arith.constant 96 : i32
        %dma_wait3A_132 = tpu.memref_slice %arg6[%mul3A_34, %dma_wait3A_131] : memref<20000x128xf32, #tpu.memory_space<hbm>> -> memref<5000x16xf32, #tpu.memory_space<hbm>>
        tpu.wait_dma2 semaphore(%run_scoped3A : memref<!tpu.dma_semaphore, #tpu.memory_space<semaphore_mem>>) src(%arg10 : memref<5000x16xf32, #tpu.memory_space<vmem>>) dst(%dma_wait3A_132 : memref<5000x16xf32, #tpu.memory_space<hbm>>)
        tpu.yield
      }) : () -> ()
    } else {
    }
    %eq3A_74 = arith.constant 7 : i32
    %eq3A_75 = arith.cmpi eq, %select_n3A, %eq3A_74 : i32
    %convert_element_type3A_76 = arith.extui %eq3A_75 : i1 to i32
    %cond3A_77 = arith.constant 0 : i32
    %cond3A_78 = arith.cmpi ne, %convert_element_type3A_76, %cond3A_77 : i32
    scf.if %cond3A_78 {
      "tpu.region"() ({
        %run_scoped3A = tpu.sem_alloc : memref<!tpu.dma_semaphore, #tpu.memory_space<semaphore_mem>>
        %dma_start3A_125 = arith.constant 112 : i32
        %dma_start3A_126 = tpu.memref_slice %arg6[%mul3A_34, %dma_start3A_125] : memref<20000x128xf32, #tpu.memory_space<hbm>> -> memref<5000x16xf32, #tpu.memory_space<hbm>>
        %dma_start3A_127 = arith.constant 112 : i32
        %dma_start3A_128 = tpu.memref_slice %arg6[%mul3A_34, %dma_start3A_127] : memref<20000x128xf32, #tpu.memory_space<hbm>> -> memref<5000x16xf32, #tpu.memory_space<hbm>>
        tpu.enqueue_dma source(%arg10 : memref<5000x16xf32, #tpu.memory_space<vmem>>) target(%dma_start3A_128 : memref<5000x16xf32, #tpu.memory_space<hbm>>) target_semaphore(%run_scoped3A : memref<!tpu.dma_semaphore, #tpu.memory_space<semaphore_mem>>)
        %dma_wait3A_129 = arith.constant 112 : i32
        %dma_wait3A_130 = tpu.memref_slice %arg6[%mul3A_34, %dma_wait3A_129] : memref<20000x128xf32, #tpu.memory_space<hbm>> -> memref<5000x16xf32, #tpu.memory_space<hbm>>
        %dma_wait3A_131 = arith.constant 112 : i32
        %dma_wait3A_132 = tpu.memref_slice %arg6[%mul3A_34, %dma_wait3A_131] : memref<20000x128xf32, #tpu.memory_space<hbm>> -> memref<5000x16xf32, #tpu.memory_space<hbm>>
        tpu.wait_dma2 semaphore(%run_scoped3A : memref<!tpu.dma_semaphore, #tpu.memory_space<semaphore_mem>>) src(%arg10 : memref<5000x16xf32, #tpu.memory_space<vmem>>) dst(%dma_wait3A_132 : memref<5000x16xf32, #tpu.memory_space<hbm>>)
        tpu.yield
      }) : () -> ()
    } else {
    }
    %dma_start3A_79 = arith.constant 0 : i32
    %dma_start3A_80 = arith.constant 0 : i32
    %dma_start3A_81 = tpu.memref_slice %arg13[%dma_start3A_79, %dma_start3A_80] : memref<10240x16xf32, #tpu.memory_space<vmem_shared>> -> memref<10240x16xf32, #tpu.memory_space<vmem_shared>>
    tpu.enqueue_indirect_dma source(%dma_start3A_81 : memref<10240x16xf32, #tpu.memory_space<vmem_shared>>) target(%arg10 : memref<5000x16xf32, #tpu.memory_space<vmem>>) offsets(%arg9 : memref<5000xi32, #tpu.memory_space<vmem>>) semaphore(%arg14 : memref<!tpu.dma_semaphore, #tpu.memory_space<semaphore_mem>>)
    %dma_wait3A_82 = arith.constant 0 : i32
    %dma_wait3A_83 = arith.constant 0 : i32
    %dma_wait3A_84 = tpu.memref_slice %arg13[%dma_wait3A_82, %dma_wait3A_83] : memref<10240x16xf32, #tpu.memory_space<vmem_shared>> -> memref<10240x16xf32, #tpu.memory_space<vmem_shared>>
    tpu.wait_indirect_dma semaphore(%arg14 : memref<!tpu.dma_semaphore, #tpu.memory_space<semaphore_mem>>) src(%dma_wait3A_84 : memref<10240x16xf32, #tpu.memory_space<vmem_shared>>) dst(%arg10 : memref<5000x16xf32, #tpu.memory_space<vmem>>)
    %eq3A_85 = arith.constant 0 : i32
    %eq3A_86 = arith.cmpi eq, %select_n3A, %eq3A_85 : i32
    %convert_element_type3A_87 = arith.extui %eq3A_86 : i1 to i32
    %cond3A_88 = arith.constant 0 : i32
    %cond3A_89 = arith.cmpi ne, %convert_element_type3A_87, %cond3A_88 : i32
    scf.if %cond3A_89 {
      "tpu.region"() ({
        %run_scoped3A = tpu.sem_alloc : memref<!tpu.dma_semaphore, #tpu.memory_space<semaphore_mem>>
        %dma_start3A_125 = arith.constant 0 : i32
        %dma_start3A_126 = tpu.memref_slice %arg7[%mul3A_34, %dma_start3A_125] : memref<20000x128xf32, #tpu.memory_space<hbm>> -> memref<5000x16xf32, #tpu.memory_space<hbm>>
        %dma_start3A_127 = arith.constant 0 : i32
        %dma_start3A_128 = tpu.memref_slice %arg7[%mul3A_34, %dma_start3A_127] : memref<20000x128xf32, #tpu.memory_space<hbm>> -> memref<5000x16xf32, #tpu.memory_space<hbm>>
        tpu.enqueue_dma source(%arg10 : memref<5000x16xf32, #tpu.memory_space<vmem>>) target(%dma_start3A_128 : memref<5000x16xf32, #tpu.memory_space<hbm>>) target_semaphore(%run_scoped3A : memref<!tpu.dma_semaphore, #tpu.memory_space<semaphore_mem>>)
        %dma_wait3A_129 = arith.constant 0 : i32
        %dma_wait3A_130 = tpu.memref_slice %arg7[%mul3A_34, %dma_wait3A_129] : memref<20000x128xf32, #tpu.memory_space<hbm>> -> memref<5000x16xf32, #tpu.memory_space<hbm>>
        %dma_wait3A_131 = arith.constant 0 : i32
        %dma_wait3A_132 = tpu.memref_slice %arg7[%mul3A_34, %dma_wait3A_131] : memref<20000x128xf32, #tpu.memory_space<hbm>> -> memref<5000x16xf32, #tpu.memory_space<hbm>>
        tpu.wait_dma2 semaphore(%run_scoped3A : memref<!tpu.dma_semaphore, #tpu.memory_space<semaphore_mem>>) src(%arg10 : memref<5000x16xf32, #tpu.memory_space<vmem>>) dst(%dma_wait3A_132 : memref<5000x16xf32, #tpu.memory_space<hbm>>)
        tpu.yield
      }) : () -> ()
    } else {
    }
    %eq3A_90 = arith.constant 1 : i32
    %eq3A_91 = arith.cmpi eq, %select_n3A, %eq3A_90 : i32
    %convert_element_type3A_92 = arith.extui %eq3A_91 : i1 to i32
    %cond3A_93 = arith.constant 0 : i32
    %cond3A_94 = arith.cmpi ne, %convert_element_type3A_92, %cond3A_93 : i32
    scf.if %cond3A_94 {
      "tpu.region"() ({
        %run_scoped3A = tpu.sem_alloc : memref<!tpu.dma_semaphore, #tpu.memory_space<semaphore_mem>>
        %dma_start3A_125 = arith.constant 16 : i32
        %dma_start3A_126 = tpu.memref_slice %arg7[%mul3A_34, %dma_start3A_125] : memref<20000x128xf32, #tpu.memory_space<hbm>> -> memref<5000x16xf32, #tpu.memory_space<hbm>>
        %dma_start3A_127 = arith.constant 16 : i32
        %dma_start3A_128 = tpu.memref_slice %arg7[%mul3A_34, %dma_start3A_127] : memref<20000x128xf32, #tpu.memory_space<hbm>> -> memref<5000x16xf32, #tpu.memory_space<hbm>>
        tpu.enqueue_dma source(%arg10 : memref<5000x16xf32, #tpu.memory_space<vmem>>) target(%dma_start3A_128 : memref<5000x16xf32, #tpu.memory_space<hbm>>) target_semaphore(%run_scoped3A : memref<!tpu.dma_semaphore, #tpu.memory_space<semaphore_mem>>)
        %dma_wait3A_129 = arith.constant 16 : i32
        %dma_wait3A_130 = tpu.memref_slice %arg7[%mul3A_34, %dma_wait3A_129] : memref<20000x128xf32, #tpu.memory_space<hbm>> -> memref<5000x16xf32, #tpu.memory_space<hbm>>
        %dma_wait3A_131 = arith.constant 16 : i32
        %dma_wait3A_132 = tpu.memref_slice %arg7[%mul3A_34, %dma_wait3A_131] : memref<20000x128xf32, #tpu.memory_space<hbm>> -> memref<5000x16xf32, #tpu.memory_space<hbm>>
        tpu.wait_dma2 semaphore(%run_scoped3A : memref<!tpu.dma_semaphore, #tpu.memory_space<semaphore_mem>>) src(%arg10 : memref<5000x16xf32, #tpu.memory_space<vmem>>) dst(%dma_wait3A_132 : memref<5000x16xf32, #tpu.memory_space<hbm>>)
        tpu.yield
      }) : () -> ()
    } else {
    }
    %eq3A_95 = arith.constant 2 : i32
    %eq3A_96 = arith.cmpi eq, %select_n3A, %eq3A_95 : i32
    %convert_element_type3A_97 = arith.extui %eq3A_96 : i1 to i32
    %cond3A_98 = arith.constant 0 : i32
    %cond3A_99 = arith.cmpi ne, %convert_element_type3A_97, %cond3A_98 : i32
    scf.if %cond3A_99 {
      "tpu.region"() ({
        %run_scoped3A = tpu.sem_alloc : memref<!tpu.dma_semaphore, #tpu.memory_space<semaphore_mem>>
        %dma_start3A_125 = arith.constant 32 : i32
        %dma_start3A_126 = tpu.memref_slice %arg7[%mul3A_34, %dma_start3A_125] : memref<20000x128xf32, #tpu.memory_space<hbm>> -> memref<5000x16xf32, #tpu.memory_space<hbm>>
        %dma_start3A_127 = arith.constant 32 : i32
        %dma_start3A_128 = tpu.memref_slice %arg7[%mul3A_34, %dma_start3A_127] : memref<20000x128xf32, #tpu.memory_space<hbm>> -> memref<5000x16xf32, #tpu.memory_space<hbm>>
        tpu.enqueue_dma source(%arg10 : memref<5000x16xf32, #tpu.memory_space<vmem>>) target(%dma_start3A_128 : memref<5000x16xf32, #tpu.memory_space<hbm>>) target_semaphore(%run_scoped3A : memref<!tpu.dma_semaphore, #tpu.memory_space<semaphore_mem>>)
        %dma_wait3A_129 = arith.constant 32 : i32
        %dma_wait3A_130 = tpu.memref_slice %arg7[%mul3A_34, %dma_wait3A_129] : memref<20000x128xf32, #tpu.memory_space<hbm>> -> memref<5000x16xf32, #tpu.memory_space<hbm>>
        %dma_wait3A_131 = arith.constant 32 : i32
        %dma_wait3A_132 = tpu.memref_slice %arg7[%mul3A_34, %dma_wait3A_131] : memref<20000x128xf32, #tpu.memory_space<hbm>> -> memref<5000x16xf32, #tpu.memory_space<hbm>>
        tpu.wait_dma2 semaphore(%run_scoped3A : memref<!tpu.dma_semaphore, #tpu.memory_space<semaphore_mem>>) src(%arg10 : memref<5000x16xf32, #tpu.memory_space<vmem>>) dst(%dma_wait3A_132 : memref<5000x16xf32, #tpu.memory_space<hbm>>)
        tpu.yield
      }) : () -> ()
    } else {
    }
    %eq3A_100 = arith.constant 3 : i32
    %eq3A_101 = arith.cmpi eq, %select_n3A, %eq3A_100 : i32
    %convert_element_type3A_102 = arith.extui %eq3A_101 : i1 to i32
    %cond3A_103 = arith.constant 0 : i32
    %cond3A_104 = arith.cmpi ne, %convert_element_type3A_102, %cond3A_103 : i32
    scf.if %cond3A_104 {
      "tpu.region"() ({
        %run_scoped3A = tpu.sem_alloc : memref<!tpu.dma_semaphore, #tpu.memory_space<semaphore_mem>>
        %dma_start3A_125 = arith.constant 48 : i32
        %dma_start3A_126 = tpu.memref_slice %arg7[%mul3A_34, %dma_start3A_125] : memref<20000x128xf32, #tpu.memory_space<hbm>> -> memref<5000x16xf32, #tpu.memory_space<hbm>>
        %dma_start3A_127 = arith.constant 48 : i32
        %dma_start3A_128 = tpu.memref_slice %arg7[%mul3A_34, %dma_start3A_127] : memref<20000x128xf32, #tpu.memory_space<hbm>> -> memref<5000x16xf32, #tpu.memory_space<hbm>>
        tpu.enqueue_dma source(%arg10 : memref<5000x16xf32, #tpu.memory_space<vmem>>) target(%dma_start3A_128 : memref<5000x16xf32, #tpu.memory_space<hbm>>) target_semaphore(%run_scoped3A : memref<!tpu.dma_semaphore, #tpu.memory_space<semaphore_mem>>)
        %dma_wait3A_129 = arith.constant 48 : i32
        %dma_wait3A_130 = tpu.memref_slice %arg7[%mul3A_34, %dma_wait3A_129] : memref<20000x128xf32, #tpu.memory_space<hbm>> -> memref<5000x16xf32, #tpu.memory_space<hbm>>
        %dma_wait3A_131 = arith.constant 48 : i32
        %dma_wait3A_132 = tpu.memref_slice %arg7[%mul3A_34, %dma_wait3A_131] : memref<20000x128xf32, #tpu.memory_space<hbm>> -> memref<5000x16xf32, #tpu.memory_space<hbm>>
        tpu.wait_dma2 semaphore(%run_scoped3A : memref<!tpu.dma_semaphore, #tpu.memory_space<semaphore_mem>>) src(%arg10 : memref<5000x16xf32, #tpu.memory_space<vmem>>) dst(%dma_wait3A_132 : memref<5000x16xf32, #tpu.memory_space<hbm>>)
        tpu.yield
      }) : () -> ()
    } else {
    }
    %eq3A_105 = arith.constant 4 : i32
    %eq3A_106 = arith.cmpi eq, %select_n3A, %eq3A_105 : i32
    %convert_element_type3A_107 = arith.extui %eq3A_106 : i1 to i32
    %cond3A_108 = arith.constant 0 : i32
    %cond3A_109 = arith.cmpi ne, %convert_element_type3A_107, %cond3A_108 : i32
    scf.if %cond3A_109 {
      "tpu.region"() ({
        %run_scoped3A = tpu.sem_alloc : memref<!tpu.dma_semaphore, #tpu.memory_space<semaphore_mem>>
        %dma_start3A_125 = arith.constant 64 : i32
        %dma_start3A_126 = tpu.memref_slice %arg7[%mul3A_34, %dma_start3A_125] : memref<20000x128xf32, #tpu.memory_space<hbm>> -> memref<5000x16xf32, #tpu.memory_space<hbm>>
        %dma_start3A_127 = arith.constant 64 : i32
        %dma_start3A_128 = tpu.memref_slice %arg7[%mul3A_34, %dma_start3A_127] : memref<20000x128xf32, #tpu.memory_space<hbm>> -> memref<5000x16xf32, #tpu.memory_space<hbm>>
        tpu.enqueue_dma source(%arg10 : memref<5000x16xf32, #tpu.memory_space<vmem>>) target(%dma_start3A_128 : memref<5000x16xf32, #tpu.memory_space<hbm>>) target_semaphore(%run_scoped3A : memref<!tpu.dma_semaphore, #tpu.memory_space<semaphore_mem>>)
        %dma_wait3A_129 = arith.constant 64 : i32
        %dma_wait3A_130 = tpu.memref_slice %arg7[%mul3A_34, %dma_wait3A_129] : memref<20000x128xf32, #tpu.memory_space<hbm>> -> memref<5000x16xf32, #tpu.memory_space<hbm>>
        %dma_wait3A_131 = arith.constant 64 : i32
        %dma_wait3A_132 = tpu.memref_slice %arg7[%mul3A_34, %dma_wait3A_131] : memref<20000x128xf32, #tpu.memory_space<hbm>> -> memref<5000x16xf32, #tpu.memory_space<hbm>>
        tpu.wait_dma2 semaphore(%run_scoped3A : memref<!tpu.dma_semaphore, #tpu.memory_space<semaphore_mem>>) src(%arg10 : memref<5000x16xf32, #tpu.memory_space<vmem>>) dst(%dma_wait3A_132 : memref<5000x16xf32, #tpu.memory_space<hbm>>)
        tpu.yield
      }) : () -> ()
    } else {
    }
    %eq3A_110 = arith.constant 5 : i32
    %eq3A_111 = arith.cmpi eq, %select_n3A, %eq3A_110 : i32
    %convert_element_type3A_112 = arith.extui %eq3A_111 : i1 to i32
    %cond3A_113 = arith.constant 0 : i32
    %cond3A_114 = arith.cmpi ne, %convert_element_type3A_112, %cond3A_113 : i32
    scf.if %cond3A_114 {
      "tpu.region"() ({
        %run_scoped3A = tpu.sem_alloc : memref<!tpu.dma_semaphore, #tpu.memory_space<semaphore_mem>>
        %dma_start3A_125 = arith.constant 80 : i32
        %dma_start3A_126 = tpu.memref_slice %arg7[%mul3A_34, %dma_start3A_125] : memref<20000x128xf32, #tpu.memory_space<hbm>> -> memref<5000x16xf32, #tpu.memory_space<hbm>>
        %dma_start3A_127 = arith.constant 80 : i32
        %dma_start3A_128 = tpu.memref_slice %arg7[%mul3A_34, %dma_start3A_127] : memref<20000x128xf32, #tpu.memory_space<hbm>> -> memref<5000x16xf32, #tpu.memory_space<hbm>>
        tpu.enqueue_dma source(%arg10 : memref<5000x16xf32, #tpu.memory_space<vmem>>) target(%dma_start3A_128 : memref<5000x16xf32, #tpu.memory_space<hbm>>) target_semaphore(%run_scoped3A : memref<!tpu.dma_semaphore, #tpu.memory_space<semaphore_mem>>)
        %dma_wait3A_129 = arith.constant 80 : i32
        %dma_wait3A_130 = tpu.memref_slice %arg7[%mul3A_34, %dma_wait3A_129] : memref<20000x128xf32, #tpu.memory_space<hbm>> -> memref<5000x16xf32, #tpu.memory_space<hbm>>
        %dma_wait3A_131 = arith.constant 80 : i32
        %dma_wait3A_132 = tpu.memref_slice %arg7[%mul3A_34, %dma_wait3A_131] : memref<20000x128xf32, #tpu.memory_space<hbm>> -> memref<5000x16xf32, #tpu.memory_space<hbm>>
        tpu.wait_dma2 semaphore(%run_scoped3A : memref<!tpu.dma_semaphore, #tpu.memory_space<semaphore_mem>>) src(%arg10 : memref<5000x16xf32, #tpu.memory_space<vmem>>) dst(%dma_wait3A_132 : memref<5000x16xf32, #tpu.memory_space<hbm>>)
        tpu.yield
      }) : () -> ()
    } else {
    }
    %eq3A_115 = arith.constant 6 : i32
    %eq3A_116 = arith.cmpi eq, %select_n3A, %eq3A_115 : i32
    %convert_element_type3A_117 = arith.extui %eq3A_116 : i1 to i32
    %cond3A_118 = arith.constant 0 : i32
    %cond3A_119 = arith.cmpi ne, %convert_element_type3A_117, %cond3A_118 : i32
    scf.if %cond3A_119 {
      "tpu.region"() ({
        %run_scoped3A = tpu.sem_alloc : memref<!tpu.dma_semaphore, #tpu.memory_space<semaphore_mem>>
        %dma_start3A_125 = arith.constant 96 : i32
        %dma_start3A_126 = tpu.memref_slice %arg7[%mul3A_34, %dma_start3A_125] : memref<20000x128xf32, #tpu.memory_space<hbm>> -> memref<5000x16xf32, #tpu.memory_space<hbm>>
        %dma_start3A_127 = arith.constant 96 : i32
        %dma_start3A_128 = tpu.memref_slice %arg7[%mul3A_34, %dma_start3A_127] : memref<20000x128xf32, #tpu.memory_space<hbm>> -> memref<5000x16xf32, #tpu.memory_space<hbm>>
        tpu.enqueue_dma source(%arg10 : memref<5000x16xf32, #tpu.memory_space<vmem>>) target(%dma_start3A_128 : memref<5000x16xf32, #tpu.memory_space<hbm>>) target_semaphore(%run_scoped3A : memref<!tpu.dma_semaphore, #tpu.memory_space<semaphore_mem>>)
        %dma_wait3A_129 = arith.constant 96 : i32
        %dma_wait3A_130 = tpu.memref_slice %arg7[%mul3A_34, %dma_wait3A_129] : memref<20000x128xf32, #tpu.memory_space<hbm>> -> memref<5000x16xf32, #tpu.memory_space<hbm>>
        %dma_wait3A_131 = arith.constant 96 : i32
        %dma_wait3A_132 = tpu.memref_slice %arg7[%mul3A_34, %dma_wait3A_131] : memref<20000x128xf32, #tpu.memory_space<hbm>> -> memref<5000x16xf32, #tpu.memory_space<hbm>>
        tpu.wait_dma2 semaphore(%run_scoped3A : memref<!tpu.dma_semaphore, #tpu.memory_space<semaphore_mem>>) src(%arg10 : memref<5000x16xf32, #tpu.memory_space<vmem>>) dst(%dma_wait3A_132 : memref<5000x16xf32, #tpu.memory_space<hbm>>)
        tpu.yield
      }) : () -> ()
    } else {
    }
    %eq3A_120 = arith.constant 7 : i32
    %eq3A_121 = arith.cmpi eq, %select_n3A, %eq3A_120 : i32
    %convert_element_type3A_122 = arith.extui %eq3A_121 : i1 to i32
    %cond3A_123 = arith.constant 0 : i32
    %cond3A_124 = arith.cmpi ne, %convert_element_type3A_122, %cond3A_123 : i32
    scf.if %cond3A_124 {
      "tpu.region"() ({
        %run_scoped3A = tpu.sem_alloc : memref<!tpu.dma_semaphore, #tpu.memory_space<semaphore_mem>>
        %dma_start3A_125 = arith.constant 112 : i32
        %dma_start3A_126 = tpu.memref_slice %arg7[%mul3A_34, %dma_start3A_125] : memref<20000x128xf32, #tpu.memory_space<hbm>> -> memref<5000x16xf32, #tpu.memory_space<hbm>>
        %dma_start3A_127 = arith.constant 112 : i32
        %dma_start3A_128 = tpu.memref_slice %arg7[%mul3A_34, %dma_start3A_127] : memref<20000x128xf32, #tpu.memory_space<hbm>> -> memref<5000x16xf32, #tpu.memory_space<hbm>>
        tpu.enqueue_dma source(%arg10 : memref<5000x16xf32, #tpu.memory_space<vmem>>) target(%dma_start3A_128 : memref<5000x16xf32, #tpu.memory_space<hbm>>) target_semaphore(%run_scoped3A : memref<!tpu.dma_semaphore, #tpu.memory_space<semaphore_mem>>)
        %dma_wait3A_129 = arith.constant 112 : i32
        %dma_wait3A_130 = tpu.memref_slice %arg7[%mul3A_34, %dma_wait3A_129] : memref<20000x128xf32, #tpu.memory_space<hbm>> -> memref<5000x16xf32, #tpu.memory_space<hbm>>
        %dma_wait3A_131 = arith.constant 112 : i32
        %dma_wait3A_132 = tpu.memref_slice %arg7[%mul3A_34, %dma_wait3A_131] : memref<20000x128xf32, #tpu.memory_space<hbm>> -> memref<5000x16xf32, #tpu.memory_space<hbm>>
        tpu.wait_dma2 semaphore(%run_scoped3A : memref<!tpu.dma_semaphore, #tpu.memory_space<semaphore_mem>>) src(%arg10 : memref<5000x16xf32, #tpu.memory_space<vmem>>) dst(%dma_wait3A_132 : memref<5000x16xf32, #tpu.memory_space<hbm>>)
        tpu.yield
      }) : () -> ()
    } else {
    }
    return
  }
}

module attributes {stable_mosaic.version = 14 : i64} {
  func.func @_tc1_body(%arg0: i32, %arg1: memref<1280x256xf32, #tpu.memory_space<vmem>>, %arg2: memref<16x256xf32, #tpu.memory_space<vmem>>, %arg3: memref<1280x16xf32, #tpu.memory_space<vmem>>) attributes {dimension_semantics = [#tpu.dimension_semantics<arbitrary>], iteration_bounds = array<i64: 8>, scalar_prefetch = 0 : i64, scratch_operands = 0 : i64, tpu.core_type = #tpu.core_type<tc>, window_params = [{transform_indices = @transform_0, window_bounds = array<i64: 1280, 256>}, {pipeline_mode = #tpu.pipeline_mode<synchronous>, transform_indices = @transform_1, window_bounds = array<i64: 16, 256>}, {transform_indices = @transform_2, window_bounds = array<i64: 1280, 16>}]} {
    %get3A = arith.constant 0 : index
    %get3A_0 = arith.constant 0 : index
    %get3A_1 = vector.load %arg1[%get3A, %get3A_0] : memref<1280x256xf32, #tpu.memory_space<vmem>>, vector<1280x256xf32>
    %get3A_2 = arith.constant 0 : index
    %get3A_3 = arith.constant 0 : index
    %get3A_4 = vector.load %arg2[%get3A_2, %get3A_3] : memref<16x256xf32, #tpu.memory_space<vmem>>, vector<16x256xf32>
    %dot_general3A = arith.constant dense<0.000000e+00> : vector<1280x16xf32>
    %dot_general3A_5 = tpu.matmul %get3A_1, %get3A_4, %dot_general3A {dimension_numbers = #tpu.dot_dimension_numbers<[1], [1], [0], [0], [0, 0, 1, 0], [], []>, transpose_lhs_hint = false} : vector<1280x256xf32>, vector<16x256xf32>, vector<1280x16xf32> -> vector<1280x16xf32>
    %swap3A = arith.constant 0 : index
    %swap3A_6 = arith.constant 0 : index
    %swap3A_7 = vector.load %arg3[%swap3A, %swap3A_6] : memref<1280x16xf32, #tpu.memory_space<vmem>>, vector<1280x16xf32>
    tpu.vector_store %arg3[%swap3A, %swap3A_6], %dot_general3A_5 {strides = array<i32>} : memref<1280x16xf32, #tpu.memory_space<vmem>>, vector<1280x16xf32>,
    return
  }
  func.func @transform_0(%arg0: i32) -> (i32, i32) {
    %c0_i32 = arith.constant 0 : i32
    %c0_i32_0 = arith.constant 0 : i32
    return %arg0, %c0_i32 : i32, i32
  }
  func.func @transform_1(%arg0: i32) -> (i32, i32) {
    %c0_i32 = arith.constant 0 : i32
    %c0_i32_0 = arith.constant 0 : i32
    %c0_i32_1 = arith.constant 0 : i32
    return %c0_i32, %c0_i32_0 : i32, i32
  }
  func.func @transform_2(%arg0: i32) -> (i32, i32) {
    %c0_i32 = arith.constant 0 : i32
    %c0_i32_0 = arith.constant 0 : i32
    return %arg0, %c0_i32 : i32, i32
  }
}

module attributes {stable_mosaic.version = 14 : i64} {
  func.func @_tc2_body(%arg0: memref<1280x128xf32, #tpu.memory_space<vmem>>, %arg1: memref<1280x128xf32, #tpu.memory_space<vmem>>, %arg2: memref<1x128xf32, #tpu.memory_space<vmem>>, %arg3: memref<128x128xf32, #tpu.memory_space<vmem>>, %arg4: memref<1280x128xf32, #tpu.memory_space<vmem>>) attributes {dimension_semantics = [], scalar_prefetch = 0 : i64, scratch_operands = 0 : i64, tpu.core_type = #tpu.core_type<tc>} {
    %get3A = arith.constant 0 : index
    %get3A_0 = arith.constant 0 : index
    %get3A_1 = vector.load %arg0[%get3A, %get3A_0] : memref<1280x128xf32, #tpu.memory_space<vmem>>, vector<1280x128xf32>
    %get3A_2 = arith.constant 0 : index
    %get3A_3 = arith.constant 0 : index
    %get3A_4 = vector.load %arg1[%get3A_2, %get3A_3] : memref<1280x128xf32, #tpu.memory_space<vmem>>, vector<1280x128xf32>
    %add3A = arith.addf %get3A_1, %get3A_4 : vector<1280x128xf32>
    %get3A_5 = arith.constant 0 : index
    %get3A_6 = arith.constant 0 : index
    %get3A_7 = vector.load %arg2[%get3A_5, %get3A_6] : memref<1x128xf32, #tpu.memory_space<vmem>>, vector<1x128xf32>
    %add3A_8 = vector.broadcast %get3A_7 : vector<1x128xf32> to vector<1280x128xf32>
    %add3A_9 = arith.addf %add3A, %add3A_8 : vector<1280x128xf32>
    %max3A = arith.constant 0.000000e+00 : f32
    %max3A_10 = vector.broadcast %max3A : f32 to vector<1280x128xf32>
    %max3A_11 = arith.maximumf %add3A_9, %max3A_10 : vector<1280x128xf32>
    %get3A_12 = arith.constant 0 : index
    %get3A_13 = arith.constant 0 : index
    %get3A_14 = vector.load %arg3[%get3A_12, %get3A_13] : memref<128x128xf32, #tpu.memory_space<vmem>>, vector<128x128xf32>
    %dot_general3A = arith.constant dense<0.000000e+00> : vector<1280x128xf32>
    %dot_general3A_15 = tpu.matmul %max3A_11, %get3A_14, %dot_general3A {dimension_numbers = #tpu.dot_dimension_numbers<[1], [0], [0], [1], [0, 0, 1, 1], [], []>, transpose_lhs_hint = false} : vector<1280x128xf32>, vector<128x128xf32>, vector<1280x128xf32> -> vector<1280x128xf32>
    %swap3A = arith.constant 0 : index
    %swap3A_16 = arith.constant 0 : index
    %swap3A_17 = vector.load %arg4[%swap3A, %swap3A_16] : memref<1280x128xf32, #tpu.memory_space<vmem>>, vector<1280x128xf32>
    tpu.vector_store %arg4[%swap3A, %swap3A_16], %dot_general3A_15 {strides = array<i32>} : memref<1280x128xf32, #tpu.memory_space<vmem>>, vector<1280x128xf32>,
    return
  }
}

module attributes {stable_mosaic.version = 14 : i64} {
  func.func @_tc3_body(%arg0: memref<1280x128xf32, #tpu.memory_space<vmem>>, %arg1: memref<1280x128xf32, #tpu.memory_space<vmem>>, %arg2: memref<1x128xf32, #tpu.memory_space<vmem>>, %arg3: memref<128x128xf32, #tpu.memory_space<vmem>>, %arg4: memref<128x128xf32, #tpu.memory_space<vmem>>, %arg5: memref<1280x128xf32, #tpu.memory_space<vmem>>, %arg6: memref<1280x128xf32, #tpu.memory_space<vmem>>) attributes {dimension_semantics = [], scalar_prefetch = 0 : i64, scratch_operands = 0 : i64, tpu.core_type = #tpu.core_type<tc>} {
    %get3A = arith.constant 0 : index
    %get3A_0 = arith.constant 0 : index
    %get3A_1 = vector.load %arg0[%get3A, %get3A_0] : memref<1280x128xf32, #tpu.memory_space<vmem>>, vector<1280x128xf32>
    %get3A_2 = arith.constant 0 : index
    %get3A_3 = arith.constant 0 : index
    %get3A_4 = vector.load %arg1[%get3A_2, %get3A_3] : memref<1280x128xf32, #tpu.memory_space<vmem>>, vector<1280x128xf32>
    %add3A = arith.addf %get3A_1, %get3A_4 : vector<1280x128xf32>
    %get3A_5 = arith.constant 0 : index
    %get3A_6 = arith.constant 0 : index
    %get3A_7 = vector.load %arg2[%get3A_5, %get3A_6] : memref<1x128xf32, #tpu.memory_space<vmem>>, vector<1x128xf32>
    %add3A_8 = vector.broadcast %get3A_7 : vector<1x128xf32> to vector<1280x128xf32>
    %add3A_9 = arith.addf %add3A, %add3A_8 : vector<1280x128xf32>
    %max3A = arith.constant 0.000000e+00 : f32
    %max3A_10 = vector.broadcast %max3A : f32 to vector<1280x128xf32>
    %max3A_11 = arith.maximumf %add3A_9, %max3A_10 : vector<1280x128xf32>
    %get3A_12 = arith.constant 0 : index
    %get3A_13 = arith.constant 0 : index
    %get3A_14 = vector.load %arg3[%get3A_12, %get3A_13] : memref<128x128xf32, #tpu.memory_space<vmem>>, vector<128x128xf32>
    %dot_general3A = arith.constant dense<0.000000e+00> : vector<1280x128xf32>
    %dot_general3A_15 = tpu.matmul %max3A_11, %get3A_14, %dot_general3A {dimension_numbers = #tpu.dot_dimension_numbers<[1], [0], [0], [1], [0, 0, 1, 1], [], []>, transpose_lhs_hint = false} : vector<1280x128xf32>, vector<128x128xf32>, vector<1280x128xf32> -> vector<1280x128xf32>
    %swap3A = arith.constant 0 : index
    %swap3A_16 = arith.constant 0 : index
    %swap3A_17 = vector.load %arg5[%swap3A, %swap3A_16] : memref<1280x128xf32, #tpu.memory_space<vmem>>, vector<1280x128xf32>
    tpu.vector_store %arg5[%swap3A, %swap3A_16], %dot_general3A_15 {strides = array<i32>} : memref<1280x128xf32, #tpu.memory_space<vmem>>, vector<1280x128xf32>,
    %get3A_18 = arith.constant 0 : index
    %get3A_19 = arith.constant 0 : index
    %get3A_20 = vector.load %arg4[%get3A_18, %get3A_19] : memref<128x128xf32, #tpu.memory_space<vmem>>, vector<128x128xf32>
    %dot_general3A_21 = arith.constant dense<0.000000e+00> : vector<1280x128xf32>
    %dot_general3A_22 = tpu.matmul %max3A_11, %get3A_20, %dot_general3A_21 {dimension_numbers = #tpu.dot_dimension_numbers<[1], [0], [0], [1], [0, 0, 1, 1], [], []>, transpose_lhs_hint = false} : vector<1280x128xf32>, vector<128x128xf32>, vector<1280x128xf32> -> vector<1280x128xf32>
    %swap3A_23 = arith.constant 0 : index
    %swap3A_24 = arith.constant 0 : index
    %swap3A_25 = vector.load %arg6[%swap3A_23, %swap3A_24] : memref<1280x128xf32, #tpu.memory_space<vmem>>, vector<1280x128xf32>
    tpu.vector_store %arg6[%swap3A_23, %swap3A_24], %dot_general3A_22 {strides = array<i32>} : memref<1280x128xf32, #tpu.memory_space<vmem>>, vector<1280x128xf32>,
    return
  }
}

module attributes {stable_mosaic.version = 14 : i64} {
  func.func @_tc4_body(%arg0: i32, %arg1: i32, %arg2: memref<10000x128xf32, #tpu.memory_space<vmem>>, %arg3: memref<10000x128xf32, #tpu.memory_space<vmem>>, %arg4: memref<1x128xf32, #tpu.memory_space<vmem>>, %arg5: memref<1x128x40xf32, #tpu.memory_space<vmem>>, %arg6: memref<1x40xf32, #tpu.memory_space<vmem>>, %arg7: memref<10000x40xf32, #tpu.memory_space<vmem>>) attributes {dimension_semantics = [#tpu.dimension_semantics<arbitrary>, #tpu.dimension_semantics<arbitrary>], iteration_bounds = array<i64: 2, 8>, scalar_prefetch = 0 : i64, scratch_operands = 0 : i64, tpu.core_type = #tpu.core_type<tc>, window_params = [{transform_indices = @transform_0, window_bounds = array<i64: 10000, 128>}, {transform_indices = @transform_1, window_bounds = array<i64: 10000, 128>}, {pipeline_mode = #tpu.pipeline_mode<synchronous>, transform_indices = @transform_2, window_bounds = array<i64: 1, 128>}, {transform_indices = @transform_3, window_bounds = array<i64: 1, 128, 40>}, {pipeline_mode = #tpu.pipeline_mode<synchronous>, transform_indices = @transform_4, window_bounds = array<i64: 1, 40>}, {transform_indices = @transform_5, window_bounds = array<i64: 10000, 40>}]} {
    %get3A = arith.constant 0 : index
    %get3A_0 = arith.constant 0 : index
    %get3A_1 = vector.load %arg2[%get3A, %get3A_0] : memref<10000x128xf32, #tpu.memory_space<vmem>>, vector<10000x128xf32>
    %get3A_2 = arith.constant 0 : index
    %get3A_3 = arith.constant 0 : index
    %get3A_4 = vector.load %arg3[%get3A_2, %get3A_3] : memref<10000x128xf32, #tpu.memory_space<vmem>>, vector<10000x128xf32>
    %add3A = arith.addf %get3A_1, %get3A_4 : vector<10000x128xf32>
    %get3A_5 = arith.constant 0 : index
    %get3A_6 = arith.constant 0 : index
    %get3A_7 = vector.load %arg4[%get3A_5, %get3A_6] : memref<1x128xf32, #tpu.memory_space<vmem>>, vector<1x128xf32>
    %add3A_8 = vector.broadcast %get3A_7 : vector<1x128xf32> to vector<10000x128xf32>
    %add3A_9 = arith.addf %add3A, %add3A_8 : vector<10000x128xf32>
    %max3A = arith.constant 0.000000e+00 : f32
    %max3A_10 = vector.broadcast %max3A : f32 to vector<10000x128xf32>
    %max3A_11 = arith.maximumf %add3A_9, %max3A_10 : vector<10000x128xf32>
    %get3A_12 = arith.constant 0 : index
    %get3A_13 = arith.constant 0 : index
    %get3A_14 = arith.constant 0 : index
    %get3A_15 = vector.load %arg5[%get3A_12, %get3A_13, %get3A_14] : memref<1x128x40xf32, #tpu.memory_space<vmem>>, vector<1x128x40xf32>
    %get3A_16 = vector.shape_cast %get3A_15 : vector<1x128x40xf32> to vector<128x40xf32>
    %dot_general3A = arith.constant dense<0.000000e+00> : vector<10000x40xf32>
    %dot_general3A_17 = tpu.matmul %max3A_11, %get3A_16, %dot_general3A {dimension_numbers = #tpu.dot_dimension_numbers<[1], [0], [0], [1], [0, 0, 1, 1], [], []>, transpose_lhs_hint = false} : vector<10000x128xf32>, vector<128x40xf32>, vector<10000x40xf32> -> vector<10000x40xf32>
    %get3A_18 = arith.constant 0 : index
    %get3A_19 = arith.constant 0 : index
    %get3A_20 = vector.load %arg6[%get3A_18, %get3A_19] : memref<1x40xf32, #tpu.memory_space<vmem>>, vector<1x40xf32>
    %add3A_21 = vector.broadcast %get3A_20 : vector<1x40xf32> to vector<10000x40xf32>
    %add3A_22 = arith.addf %dot_general3A_17, %add3A_21 : vector<10000x40xf32>
    %reduce_max3A = arith.constant dense<0xFF800000> : vector<10000xf32>
    %reduce_max3A_23 = vector.multi_reduction <maximumf>, %add3A_22, %reduce_max3A [1] : vector<10000x40xf32> to vector<10000xf32>
    %broadcast_in_dim3A = vector.shape_cast %reduce_max3A_23 : vector<10000xf32> to vector<10000x1xf32>
    %sub3A = vector.broadcast %broadcast_in_dim3A : vector<10000x1xf32> to vector<10000x40xf32>
    %sub3A_24 = arith.subf %add3A_22, %sub3A : vector<10000x40xf32>
    %exp3A = math.exp %sub3A_24 : vector<10000x40xf32>
    %reduce_sum3A = arith.constant dense<0.000000e+00> : vector<10000xf32>
    %reduce_sum3A_25 = vector.multi_reduction <add>, %exp3A, %reduce_sum3A [1] : vector<10000x40xf32> to vector<10000xf32>
    %broadcast_in_dim3A_26 = vector.shape_cast %reduce_sum3A_25 : vector<10000xf32> to vector<10000x1xf32>
    %log3A = math.log %broadcast_in_dim3A_26 : vector<10000x1xf32>
    %add3A_27 = arith.addf %broadcast_in_dim3A, %log3A : vector<10000x1xf32>
    %sub3A_28 = vector.broadcast %add3A_27 : vector<10000x1xf32> to vector<10000x40xf32>
    %sub3A_29 = arith.subf %add3A_22, %sub3A_28 : vector<10000x40xf32>
    %swap3A = arith.constant 0 : index
    %swap3A_30 = arith.constant 0 : index
    %swap3A_31 = vector.load %arg7[%swap3A, %swap3A_30] : memref<10000x40xf32, #tpu.memory_space<vmem>>, vector<10000x40xf32>
    tpu.vector_store %arg7[%swap3A, %swap3A_30], %sub3A_29 {strides = array<i32>} : memref<10000x40xf32, #tpu.memory_space<vmem>>, vector<10000x40xf32>,
    return
  }
  func.func @transform_0(%arg0: i32, %arg1: i32) -> (i32, i32) {
    %c0_i32 = arith.constant 0 : i32
    %c0_i32_0 = arith.constant 0 : i32
    return %arg0, %c0_i32 : i32, i32
  }
  func.func @transform_1(%arg0: i32, %arg1: i32) -> (i32, i32) {
    %c0_i32 = arith.constant 0 : i32
    %c0_i32_0 = arith.constant 0 : i32
    return %arg0, %c0_i32 : i32, i32
  }
  func.func @transform_2(%arg0: i32, %arg1: i32) -> (i32, i32) {
    %c0_i32 = arith.constant 0 : i32
    %c0_i32_0 = arith.constant 0 : i32
    %c0_i32_1 = arith.constant 0 : i32
    return %c0_i32, %c0_i32_0 : i32, i32
  }
  func.func @transform_3(%arg0: i32, %arg1: i32) -> (i32, i32, i32) {
    %c0_i32 = arith.constant 0 : i32
    %c0_i32_0 = arith.constant 0 : i32
    %c0_i32_1 = arith.constant 0 : i32
    return %arg1, %c0_i32, %c0_i32_0 : i32, i32, i32
  }
  func.func @transform_4(%arg0: i32, %arg1: i32) -> (i32, i32) {
    %c0_i32 = arith.constant 0 : i32
    %c0_i32_0 = arith.constant 0 : i32
    %c0_i32_1 = arith.constant 0 : i32
    return %c0_i32, %c0_i32_0 : i32, i32
  }
  func.func @transform_5(%arg0: i32, %arg1: i32) -> (i32, i32) {
    %mul3A = arith.constant 2 : i32
    %mul3A_0 = arith.muli %arg1, %mul3A : i32
    %add3A = arith.addi %mul3A_0, %arg0 : i32
    %c0_i32 = arith.constant 0 : i32
    %c0_i32_1 = arith.constant 0 : i32
    return %add3A, %c0_i32 : i32, i32
  }
}

</mosaic_0001>

<sc_bundles>
// kernel: kernel.12.cloned.1.call-start
scs
__scs_entry_jumppad:
0x0: {  	(pc) =	sbr.rel $0x88, $3  }
0x1: {  	(tag) =	ssettag $0x0;
	lr =	simm.s32 $0x1  }
0x2: {  	[smem:$0x3F97] =	sst lr;
	_ =	strace $0xD0000000  }
0x3: {  	_ = 	snop  }
0x4: {  	_ = 	snop  }
0x5: {  	_ = 	snop  }
0x6: {  	_ = 	snop  }
0x7: {  	_ = 	snop  }
__scs_overlays_trampoline_lowered:
0x8: {  	[smem:$0x3FA6] =	sst s0  }
0x9: {  	[smem:$0x3FA7] =	sst s1  }
0xa: {  	[smem:$0x3FA8] =	sst s2  }
0xb: {  	[smem:$0x3FA9] =	sst s3  }
0xc: {  	[smem:$0x3FAA] =	sst s4  }
0xd: {  	[smem:$0x3FAB] =	sst s5  }
0xe: {  	[smem:$0x3FAC] =	sst s6  }
0xf: {  	[smem:$0x3FAD] =	sst s7  }
0x10: {  	[smem:$0x3FAE] =	sst s8  }
0x11: {  	[smem:$0x3FAF] =	sst s9;
	s0 =	simm.s32 @!p0 $0x0  }
0x12: {  	s1 =	sld [smem:$0x3F95];
	s0 =	simm.s32 @p0 $0x1  }
0x13: {  	[smem:$0x3FB0] =	sst s0;
	s0 =	simm.s32 @!p1 $0x0  }
0x14: {  	s2 =	sld [smem:$0x3F94];
	s0 =	simm.s32 @p1 $0x1  }
0x15: {  	[smem:$0x3FB1] =	sst s0;
	s0 =	simm.s32 @!p2 $0x0  }
0x16: {  	s3 =	sld [smem:$0x3FDB];
	s0 =	simm.s32 @p2 $0x1  }
0x17: {  	s4 =	simm.s32 $0x1BF5;
	[smem:$0x3FB3] =	sst s0  }
0x18: {  	s0 =	sld [smem:$0x3F96];
	_ =	swait.ge [sflag:s4], $0x0  }
0x19: {  	s7 =	sld [smem:$0x3F97]  }
0x1a: {  	s8 =	sadd.s32 $0xFFFFE003, lr  }
0x1b: {  	s9 =	sadd.s32 $0xFFFFFEF7, lr;
	s5 =	simm.s32 $0xFFFFFFFF;
	p2 =	slt.u32 s8, $0xFFFFF086  }
0x1c: {  	p1 =	slt.u32 s9, $0xF7A;
	s5 =	simm.s32 @!p2 $0x0  }
0x1d: {  	s5 =	simm.s32 @p1 $0x1;
	p0 =	seq.s32 s7, s2  }
0x1e: {  	s7 =	smul.u32 @!p0 $0xF7A, s2;
	p2 =	seq.s32 @!p0 s5, $0x0  }
0x1f: {  	s9 =	smul.u32 $0xF7A, s1;
	s8 =	simm.s32 @!p0 $0x1BF5;
	p2 =	por !p2, p0  }
0x20: {  	[sflag:s8] =	ssyncset.s32 @!p0 $0xFFFFF086;
	s6 =	sadd.s32 @!p0 s3, s7;
	s7 =	simm.s32 @!p0 $0x108  }
0x21: {  	s3 =	sadd.s32 s3, s9;
	s6 =	sadd.s32 @!p0 $0x88, s6;
	s7 =	simm.s32 @p2 $0x1082  }
0x22: {  	[simem:s7], [sflag:s8] =	dma.local @!p0 [hbm:s6], $0xF7A  }
0x23: {  	s9 =	sor.u32 $0xD0000000, s2;
	s6 =	simm.s32 $0x108;
	_ =	swait.ge @!p0 [sflag:s8], $0x0  }
0x24: {  	s3 =	sadd.s32 $0x88, s3;
	s6 =	simm.s32 @!p1 $0x1082;
	[sflag:s4] =	ssyncset.s32 $0xFFFFF086  }
0x25: {  	[simem:s6], [sflag:s4] =	dma.local [hbm:s3], $0xF7A  }
0x26: {  	[smem:$0x3F97] =	sst s1;
	(tag) =	ssettag s2;
	_ =	strace s9  }
0x27: {  	s1 =	sld [smem:$0x3FA7]  }
0x28: {  	s2 =	sld [smem:$0x3FA8]  }
0x29: {  	s4 =	sld [smem:$0x3FAA]  }
0x2a: {  	p0 =	seq.s32 s5, $0x0;
	s5 =	sld [smem:$0x3FAB]  }
0x2b: {  	s6 =	sld [smem:$0x3FAC]  }
0x2c: {  	s7 =	sld [smem:$0x3FAD]  }
0x2d: {  	s3 =	simm.s32 $0x108;
	s8 =	sld [smem:$0x3FAE]  }
0x2e: {  	s3 =	simm.s32 @!p0 $0x1082;
	s9 =	sld [smem:$0x3FAF]  }
0x2f: {  	lr =	sadd.s32 s0, s3;
	s0 =	sld [smem:$0x3FA6]  }
0x30: {  	s3 =	sld [smem:$0x3FA9]  }
0x31: {  	[smem:$0x3FB2] =	sst s10  }
0x32: {  	s10 =	sld [smem:$0x3FB0];
	_ =	sdelay $0x3  }
0x33: {  	p0 =	seq.s32 s10, $0x1;
	s10 =	sld [smem:$0x3FB2];
	_ =	sdelay $0x3  }
0x34: {  	[smem:$0x3FB2] =	sst s10  }
0x35: {  	s10 =	sld [smem:$0x3FB1];
	_ =	sdelay $0x3  }
0x36: {  	p1 =	seq.s32 s10, $0x1;
	s10 =	sld [smem:$0x3FB2];
	_ =	sdelay $0x3  }
0x37: {  	[smem:$0x3FB2] =	sst s10  }
0x38: {  	s10 =	sld [smem:$0x3FB3]  }
0x39: {  	_ = 	snop;
	(pc) =	sbr.ind lr, $3  }
0x3a: {  	_ = 	snop  }
0x3b: {  	_ = 	snop  }
0x3c: {  	p2 =	seq.s32 s10, $0x1;
	s10 =	sld [smem:$0x3FB2]  }
0x3d: {  	_ =	shalt  }
0x3e: {  	_ =	shalt  }
0x3f: {  	_ =	shalt  }
0x40: {  	_ =	shalt  }
0x41: {  	_ =	shalt  }
0x42: {  	_ =	shalt  }
0x43: {  	_ =	shalt  }
0x44: {  	_ =	shalt  }
0x45: {  	_ =	shalt  }
0x46: {  	_ =	shalt  }
0x47: {  	_ =	shalt  }
0x48: {  	_ =	shalt  }
0x49: {  	_ =	shalt  }
0x4a: {  	_ =	shalt  }
0x4b: {  	_ =	shalt  }
0x4c: {  	_ =	shalt  }
0x4d: {  	_ =	shalt  }
0x4e: {  	_ =	shalt  }
0x4f: {  	_ =	shalt  }
0x50: {  	_ =	shalt  }
0x51: {  	_ =	shalt  }
0x52: {  	_ =	shalt  }
0x53: {  	_ =	shalt  }
0x54: {  	_ =	shalt  }
0x55: {  	_ =	shalt  }
0x56: {  	_ =	shalt  }
0x57: {  	_ =	shalt  }
0x58: {  	_ =	shalt  }
0x59: {  	_ =	shalt  }
0x5a: {  	_ =	shalt  }
0x5b: {  	_ =	shalt  }
0x5c: {  	_ =	shalt  }
0x5d: {  	_ =	shalt  }
0x5e: {  	_ =	shalt  }
0x5f: {  	_ =	shalt  }
0x60: {  	_ =	shalt  }
0x61: {  	_ =	shalt  }
0x62: {  	_ =	shalt  }
0x63: {  	_ =	shalt  }
0x64: {  	_ =	shalt  }
0x65: {  	_ =	shalt  }
0x66: {  	_ =	shalt  }
0x67: {  	_ =	shalt  }
0x68: {  	_ =	shalt  }
0x69: {  	_ =	shalt  }
0x6a: {  	_ =	shalt  }
0x6b: {  	_ =	shalt  }
0x6c: {  	_ =	shalt  }
0x6d: {  	_ =	shalt  }
0x6e: {  	_ =	shalt  }
0x6f: {  	_ =	shalt  }
0x70: {  	_ =	shalt  }
0x71: {  	_ =	shalt  }
0x72: {  	_ =	shalt  }
0x73: {  	_ =	shalt  }
0x74: {  	_ =	shalt  }
0x75: {  	_ =	shalt  }
0x76: {  	_ =	shalt  }
0x77: {  	_ =	shalt  }
0x78: {  	_ =	shalt  }
0x79: {  	_ =	shalt  }
0x7a: {  	_ =	shalt  }
0x7b: {  	_ =	shalt  }
0x7c: {  	_ =	shalt  }
0x7d: {  	_ =	shalt  }
0x7e: {  	_ =	shalt  }
0x7f: {  	_ =	shalt  }
0x80: {  	_ =	shalt  }
0x81: {  	_ =	shalt  }
0x82: {  	_ =	shalt  }
0x83: {  	_ =	shalt  }
0x84: {  	_ =	shalt  }
0x85: {  	_ =	shalt  }
0x86: {  	_ =	shalt  }
0x87: {  	_ =	shalt  }
.Lfunc_end0:
.L_simem_size_0:
called_computation.1_lowered:
.L_overlay_start_0:
0x88: {  	s2 =	sld [smem:$0x3FD9]  }
0x89: {  	s3 =	sld [smem:$0x3FFE];
	_ =	sdelay $0x1  }
0x8a: {  	s1 =	srdreg.scid  }
0x8b: {  	s0 =	sand.u32 $0x1, s1  }
0x8c: {  	s17 =	sshll.u32 s0, $0xA;
	s2 =	sadd.s32 s3, s2  }
0x8d: {  	s2 =	sadd.s32 s2, s17  }
0x8e: {  	[smem:$0x3FBE] =	sst s2  }
0x8f: {  	_ = 	snop  }
0x90: {  	s2 =	sld [smem:$0x3FD0];
	(tm) =	ssettm $0x1  }
0x91: {  	s18 =	sld [smem:$0x3FFB];
	_ =	sdelay $0x3  }
0x92: {  	_ =	strace s18  }
0x93: {  	s3 =	sld [smem:$0x3FFC];
	_ =	sdelay $0x3  }
0x94: {  	_ =	strace s3  }
0x95: {  	s3 =	sld [smem:$0x3FFD];
	_ =	sdelay $0x3  }
0x96: {  	_ =	strace s3  }
0x97: {  	_ =	strace $0x8FFFFFFF  }
0x98: {  	s19 =	sld [smem:$0x3FDB];
	_ =	sdelay $0x1  }
0x99: {  	s4 =	simm.s32 $_scs_section_size  }
0x9a: {  	s5 =	simm.s32 $_size__tile_overlayer_lowered;
	s6 =	simm.s32 $_tile_overlayer_lowered  }
0x9b: {  	s22 =	simm.s32 $0x1BFF;
	s21 =	sshll.u32 s6, $0x1;
	s3 =	sadd.s32 s4, s19  }
0x9c: {  	s7 =	simm.s32 $0x0;
	s20 =	sshll.u32 s5, $0x1;
	s5 =	sadd.s32 s21, s3  }
0x9d: {  	[timem:s7], [sflag:s22] =	dma.local [hbm:s5], s20  }
0x9e: {  	_ =	swait.ge [sflag:s22], s20  }
0x9f: {  	s4 =	ssub.s32 $0x0, s20;
	[sflag:s22] =	ssyncset.done $0x0  }
0xa0: {  	[sflag:s22] =	ssyncadd.s32 s4;
	_ =	sdelay $0x1  }
0xa1: {  	s23 =	simm.s32 $0x1B8B  }
0xa2: {  	_ =	swait.ge [sflag:s23], $0x1  }
0xa3: {  	[sflag:s23] =	ssyncset.done $0x0  }
0xa4: {  	s25 =	simm.s32 $0x1B8E;
	s24 =	sld [smem:$0x3FFE];
	[sflag:s23] =	ssyncadd.s32 $0xFFFFFFFF  }
0xa5: {  	s26 =	simm.s32 $execute0_lowered;
	[smem:$0x3FD2] =	sst s25  }
0xa6: {  	s5 =	sshll.u32 s26, $0x1;
	_ =	strace $0x80000049;
	[dreg:$0x1] =	wrdreg $0xFFFFFFFF  }
0xa7: {  	s28 =	simm.s32 $_size_execute0_lowered;
	s3 =	sadd.s32 s3, s5;
	[dreg:$0x0] =	wrdreg $0x0  }
0xa8: {  	s5 =	sshll.u32 s28, $0x1;
	[dreg:$0x2] =	wrdreg s3  }
0xa9: {  	[dreg:$0x3] =	wrdreg s5  }
0xaa: {  	[dreg:$0x4] =	wrdreg $0xC0  }
0xab: {  	_ =	task [dreg:s7], $0x5FFFF  }
0xac: {  	[dreg:$0x1] =	wrdreg $0xFFFFFFFF  }
0xad: {  	[dreg:$0x0] =	wrdreg $0x60  }
0xae: {  	[dreg:$0x2] =	wrdreg s2  }
0xaf: {  	[dreg:$0x3] =	wrdreg s24  }
0xb0: {  	[dreg:$0x4] =	wrdreg $0x1AF900  }
0xb1: {  	[dreg:$0x5] =	wrdreg $0x187900  }
0xb2: {  	[dreg:$0x6] =	wrdreg $0x9  }
0xb3: {  	_ =	task.clear_ibuf [dreg:s7], $0x7FFFF;
	_ =	strace $0x90000049  }
0xb4: {  	s29 =	simm.s32 $0x9;
	_ =	strace $0x8000004B  }
0xb5: {  	_ =	swait.ge [sflag:s29], $0x1  }
0xb6: {  	[sflag:s29] =	ssyncadd.s32 $0xFFFFFFFF  }
0xb7: {  	_ =	strace $0x9000004B  }
0xb8: {  	_ =	sfence  }
0xb9: {  	s30 =	sld [smem:$0x0];
	_ =	sdelay $0x2  }
0xba: {  	s31 =	sshll.u32 s1, $0xD;
	s1 =	sshrl.u32 s1, $0x2  }
0xbb: {  	s3 =	sand.u32 $0x4000, s31;
	s1 =	sadd.s32 s1, s30  }
0xbc: {  	s0 =	sor.u32 s3, s0;
	s1 =	sshll.u32 s1, $0x11  }
0xbd: {  	s0 =	sor.u32 s1, s0  }
0xbe: {  	s0 =	sadd.s32 $0x8F2B, s0  }
0xbf: {  	[sflag:s0] =	ssyncadd.remote.s32 $0x1  }
0xc0: {  	_ =	sfence.sel $0xFFFF  }
0xc1: {  	[dreg:$0x0] =	wrdreg $0xFFFFFFFF;
	(pc) =	sbr.abs _section_cstart, $3  }
0xc2: {  	[dreg:$0x1] =	wrdreg $0xFFFFFFFF  }
0xc3: {  	_ =	task.clear_ibuf [dreg:s7], $0x2FFFF;
	_ =	strace $0x9FFFFFFF  }
0xc4: {  	(tm) =	ssettm $0x7FFFFFFF  }
0xc5: {  	_ =	shalt  }
tec
execute0_lowered:
.L_overlay_start_1:
0x0: {  	(tag) =	ssettag $0x1  }
0x1: {  	s10 =	rddreg [dreg:$0x0]  }
0x2: {  	s6 =	rddreg [dreg:$0x1]  }
0x3: {  	s2 =	rddreg [dreg:$0x2]  }
0x4: {  	s0 =	srdreg.scid;
	s3 =	rddreg [dreg:$0x3]  }
0x5: {  	s1 =	stileid.u32;
	s4 =	simm.s32 $0x0;
	s15 =	simm.s32 $0x15F90  }
0x6: {  	s16 =	simm.s32 $0x4;
	s17 =	simm.s32 $0x2;
	s18 =	simm.s32 $0x3  }
0x7: {  	s19 =	simm.s32 $0x2710;
	s14 =	sand.u32 $0x1, s0;
	s0 =	rddreg [dreg:$0x4]  }
0x8: {  	s20 =	simm.s32 $0x1;
	s21 =	simm.s32 $0x0;
	[smem:$0x7FF] =	sst s4  }
0x9: {  	s12 =	smul.u32 $0x2800, s1;
	s5 =	sshll.u32 s14, $0x4;
	_ =	strace $0x8000004A  }
0xa: {  	s7 =	ssub.s32 $0x2, s14;
	p0 =	seq.s32 s14, $0x0;
	s14 =	simm.s32 $0x1388  }
.Ltmp0:
0xb: {  	s5 =	sor.u32 s1, s5;
	s8 =	sshrl.u32 s7, $0x1;
	(pc) =	sbr.rel .LBB2_1-.Ltmp0, $4  }
0xc: {  	s5 =	smul.u32 $0x271, s5;
	s13 =	ssub.s32 s7, s8;
	s7 =	sshrl.u32 s12, $0x3  }
0xd: {  	s11 =	sadd.s32 s12, s2;
	s12 =	sadd.s32 s12, s3;
	s10 =	sadd.s32 s10, s7  }
0xe: {  	s13 =	smax.u32 s13, $0x1;
	s9 =	sadd.s32 s5, s6;
	s5 =	sadd.s32 $0xD800, s6  }
0xf: {  	v0 =	vimm.f32 $0.0e+00;
	s6 =	sadd.s32 $0x12800, s6;
	s8 =	sadd.s32 $0x8800, s9;
	s9 =	sadd.s32 $0x3800, s9  }
.LBB2_4:
0x10: {  	[tilespmem:s23+$0x15F90] =	vst v0;
	s22 =	smov.u32 s6  }
.LBB2_5:
0x11: {  	[spmem:s12] =	stream.linear.scatter [tilespmem:s15], [sflag:$0x4], $0x2800, $0x38;
	[tilespmem:$0x1D790] =	vst v63  }
0x12: {  	_ =	swait.ge [sflag:s16], $0x2800  }
0x13: {  	[sflag:s16] =	ssyncset.done $0x0  }
0x14: {  	[sflag:s16] =	ssyncadd.s32 $0xFFFFD800  }
0x15: {  	_ =	swait.ge [sflag:s17], $0x1388  }
0x16: {  	[sflag:s17] =	ssyncset.done $0x0  }
0x17: {  	[sflag:s17] =	ssyncadd.s32 $0xFFFFEC78  }
0x18: {  	_ =	swait.ge [sflag:s18], $0x1388  }
0x19: {  	[sflag:s18] =	ssyncset.done $0x0  }
0x1a: {  	[sflag:s18] =	ssyncadd.s32 $0xFFFFEC78  }
0x1b: {  	[bflag:$0x0] =	sbarrier.arrive $0xFFFF  }
0x1c: {  	[tilespmem:s19], [sflag:$0x1] =	stream.indirect.gather [spmem:s2], $0x10, s4, s14, $0xb8;
	[tilespmem:$0x1D790] =	vst v63  }
0x1d: {  	_ =	swait.ge [sflag:s20], $0x13880  }
0x1e: {  	[sflag:s20] =	ssyncset.done $0x0  }
0x1f: {  	[sflag:s20] =	ssyncadd.s32 $0xFFFEC780  }
0x20: {  	[spmem:s3] =	stream.indirect.scatter.add.f32 [tilespmem:s19], [sflag:$0x4], $0x10, s14, s14, $0xb8;
	[tilespmem:$0x1D790] =	vst v63  }
0x21: {  	_ =	swait.ge [sflag:s16], $0x13880  }
0x22: {  	[sflag:s16] =	ssyncset.done $0x0  }
0x23: {  	[sflag:s16] =	ssyncadd.s32 $0xFFFEC780  }
0x24: {  	[bflag:$0x0] =	sbarrier.arrive $0xFFFF  }
0x25: {  	[tilespmem:s15], [sflag:$0x4] =	stream.linear.gather [spmem:s12], $0x2800, $0x38;
	[tilespmem:$0x1D790] =	vst v63  }
0x26: {  	s21 =	sadd.s32 $0x1, s21;
	_ =	swait.ge [sflag:s16], $0x2800  }
0x27: {  	p1 =	sne.s32 s21, s13;
	[sflag:s16] =	ssyncset.done $0x0  }
.Ltmp1:
0x28: {  	s22 =	sadd.s32 s22, s7;
	[sflag:s16] =	ssyncadd.s32 $0xFFFFD800;
	(pc) =	sbr.rel @!p1 .LBB2_6-.Ltmp1, $4  }
0x29: {  	[hbm4b:s22+s4] =	stream.linear.scatter [tilespmem:s15], [sflag:$0x4], $0x2800, $0x38;
	[tilespmem:$0x1D790] =	vst v63  }
0x2a: {  	_ =	swait.ge [sflag:s16], $0x2800  }
0x2b: {  	[sflag:s16] =	ssyncset.done $0x0  }
0x2c: {  	[sflag:s16] =	ssyncadd.s32 $0xFFFFD800  }
.LBB2_1:
0x2d: {  	[tilespmem:s4], [sflag:$0x2] =	stream.linear.gather [hbm4b:s8+s4], $0x1388, $0x38;
	[tilespmem:$0x1D790] =	vst v63  }
0x2e: {  	_ = 	snop  }
0x2f: {  	[tilespmem:s14], [sflag:$0x3] =	stream.linear.gather [hbm4b:s9+s4], $0x1388, $0x38;
	[tilespmem:$0x1D790] =	vst v63  }
0x30: {  	_ = 	snop  }
0x31: {  	[tilespmem:s15], [sflag:$0x4] =	stream.linear.gather [hbm4b:s10+s4], $0x2800, $0x38;
	[tilespmem:$0x1D790] =	vst v63  }
0x32: {  	_ =	swait.ge [sflag:s16], $0x2800  }
0x33: {  	[sflag:s16] =	ssyncset.done $0x0  }
.Ltmp2:
0x34: {  	[sflag:s16] =	ssyncadd.s32 $0xFFFFD800;
	(pc) =	sbr.rel @p0 .LBB2_5-.Ltmp2, $4  }
0x35: {  	[spmem:s11] =	stream.linear.scatter [tilespmem:s15], [sflag:$0x4], $0x2800, $0x38;
	[tilespmem:$0x1D790] =	vst v63  }
0x36: {  	_ =	swait.ge [sflag:s16], $0x2800  }
0x37: {  	[sflag:s16] =	ssyncset.done $0x0  }
0x38: {  	s22 =	smov.u32 s5;
	[sflag:s16] =	ssyncadd.s32 $0xFFFFD800  }
0x39: {  	s22 =	simm.s32 $0x40;
	s23 =	simm.s32 $0x0  }
.LBB2_3:
0x3a: {  	p1 =	sne.s32 s22, $0x9FC0;
	[tilespmem:s23+$0x15F90] =	vst v0;
	s23 =	smov.u32 s22;
	s22 =	sadd.s32 $0x40, s22  }
.Ltmp3:
0x3b: {  	(pc) =	sbr.rel @p1 .LBB2_3-.Ltmp3, $2  }
0x3c: {  	_ =	sdelay $0x2  }
0x3d: {  	s23 =	sshra.s32 s23, $0x2  }
.Ltmp4:
0x3e: {  	_ = 	snop;
	(pc) =	sbr.rel .LBB2_4-.Ltmp4, $1  }
0x3f: {  	_ =	sdelay $0x3  }
.LBB2_6:
0x40: {  	_ =	sfence.sel $0x180000  }
0x41: {  	[bflag:$0x0] =	sbarrier.arrive $0xFFFF  }
0x42: {  	p0 =	sne.s32 s1, $0x0;
	_ =	strace $0x9000004A  }
0x43: {  	s0 =	sadd.s32 @!p0 $0x100000, s0;
	[bflag:$0x2] =	sbarrier.arrive $0xFFFF  }
0x44: {  	[sflag:s0] =	ssyncadd.tile.s32 @!p0 $0x1;
	_ =	shalt  }
.Lfunc_end2:
_tile_overlayer_lowered:
.L_overlay_start_2:
0x45: {  	(tag) =	ssettag $0x2  }
0x46: {  	s0 =	rddreg [dreg:$0x0];
	s2 =	stileid.u32  }
0x47: {  	s1 =	rddreg [dreg:$0x1];
	p0 =	sne.s32 s2, $0x0  }
0x48: {  	s3 =	rddreg [dreg:$0x2];
	[bflag:$0x3] =	sbarrier.arrive $0xFFFF;
	s2 =	simm.s32 @!p0 $0x1C04  }
0x49: {  	[timem:s3], [sflag:s2] =	dma.local @!p0 [hbm:s0], s1  }
0x4a: {  	s0 =	simm.s32 @!p0 $0x4  }
0x4b: {  	_ =	swait.ge @!p0 [sflag:s0], s1  }
0x4c: {  	s1 =	ssub.s32 @!p0 $0x0, s1;
	[sflag:s0] =	ssyncset.done @!p0 $0x0  }
0x4d: {  	[sflag:s0] =	ssyncadd.s32 @!p0 s1  }
0x4e: {  	[bflag:$0x3] =	sbarrier.arrive $0xFFFF  }
0x4f: {  	_ =	shalt  }

// kernel: kernel.15.cloned.1.call-start
scs
__scs_entry_jumppad:
0x0: {  	(pc) =	sbr.rel $0x88, $3  }
0x1: {  	(tag) =	ssettag $0x0;
	lr =	simm.s32 $0x1  }
0x2: {  	[smem:$0x3F97] =	sst lr;
	_ =	strace $0xD0000000  }
0x3: {  	_ = 	snop  }
0x4: {  	_ = 	snop  }
0x5: {  	_ = 	snop  }
0x6: {  	_ = 	snop  }
0x7: {  	_ = 	snop  }
__scs_overlays_trampoline_lowered:
0x8: {  	[smem:$0x3FA6] =	sst s0  }
0x9: {  	[smem:$0x3FA7] =	sst s1  }
0xa: {  	[smem:$0x3FA8] =	sst s2  }
0xb: {  	[smem:$0x3FA9] =	sst s3  }
0xc: {  	[smem:$0x3FAA] =	sst s4  }
0xd: {  	[smem:$0x3FAB] =	sst s5  }
0xe: {  	[smem:$0x3FAC] =	sst s6  }
0xf: {  	[smem:$0x3FAD] =	sst s7  }
0x10: {  	[smem:$0x3FAE] =	sst s8  }
0x11: {  	[smem:$0x3FAF] =	sst s9;
	s0 =	simm.s32 @!p0 $0x0  }
0x12: {  	s1 =	sld [smem:$0x3F95];
	s0 =	simm.s32 @p0 $0x1  }
0x13: {  	[smem:$0x3FB0] =	sst s0;
	s0 =	simm.s32 @!p1 $0x0  }
0x14: {  	s2 =	sld [smem:$0x3F94];
	s0 =	simm.s32 @p1 $0x1  }
0x15: {  	[smem:$0x3FB1] =	sst s0;
	s0 =	simm.s32 @!p2 $0x0  }
0x16: {  	s3 =	sld [smem:$0x3FDB];
	s0 =	simm.s32 @p2 $0x1  }
0x17: {  	s4 =	simm.s32 $0x1BF5;
	[smem:$0x3FB3] =	sst s0  }
0x18: {  	s0 =	sld [smem:$0x3F96];
	_ =	swait.ge [sflag:s4], $0x0  }
0x19: {  	s7 =	sld [smem:$0x3F97]  }
0x1a: {  	s8 =	sadd.s32 $0xFFFFE003, lr  }
0x1b: {  	s9 =	sadd.s32 $0xFFFFFEF7, lr;
	s5 =	simm.s32 $0xFFFFFFFF;
	p2 =	slt.u32 s8, $0xFFFFF086  }
0x1c: {  	p1 =	slt.u32 s9, $0xF7A;
	s5 =	simm.s32 @!p2 $0x0  }
0x1d: {  	s5 =	simm.s32 @p1 $0x1;
	p0 =	seq.s32 s7, s2  }
0x1e: {  	s7 =	smul.u32 @!p0 $0xF7A, s2;
	p2 =	seq.s32 @!p0 s5, $0x0  }
0x1f: {  	s9 =	smul.u32 $0xF7A, s1;
	s8 =	simm.s32 @!p0 $0x1BF5;
	p2 =	por !p2, p0  }
0x20: {  	[sflag:s8] =	ssyncset.s32 @!p0 $0xFFFFF086;
	s6 =	sadd.s32 @!p0 s3, s7;
	s7 =	simm.s32 @!p0 $0x108  }
0x21: {  	s3 =	sadd.s32 s3, s9;
	s6 =	sadd.s32 @!p0 $0x88, s6;
	s7 =	simm.s32 @p2 $0x1082  }
0x22: {  	[simem:s7], [sflag:s8] =	dma.local @!p0 [hbm:s6], $0xF7A  }
0x23: {  	s9 =	sor.u32 $0xD0000000, s2;
	s6 =	simm.s32 $0x108;
	_ =	swait.ge @!p0 [sflag:s8], $0x0  }
0x24: {  	s3 =	sadd.s32 $0x88, s3;
	s6 =	simm.s32 @!p1 $0x1082;
	[sflag:s4] =	ssyncset.s32 $0xFFFFF086  }
0x25: {  	[simem:s6], [sflag:s4] =	dma.local [hbm:s3], $0xF7A  }
0x26: {  	[smem:$0x3F97] =	sst s1;
	(tag) =	ssettag s2;
	_ =	strace s9  }
0x27: {  	s1 =	sld [smem:$0x3FA7]  }
0x28: {  	s2 =	sld [smem:$0x3FA8]  }
0x29: {  	s4 =	sld [smem:$0x3FAA]  }
0x2a: {  	p0 =	seq.s32 s5, $0x0;
	s5 =	sld [smem:$0x3FAB]  }
0x2b: {  	s6 =	sld [smem:$0x3FAC]  }
0x2c: {  	s7 =	sld [smem:$0x3FAD]  }
0x2d: {  	s3 =	simm.s32 $0x108;
	s8 =	sld [smem:$0x3FAE]  }
0x2e: {  	s3 =	simm.s32 @!p0 $0x1082;
	s9 =	sld [smem:$0x3FAF]  }
0x2f: {  	lr =	sadd.s32 s0, s3;
	s0 =	sld [smem:$0x3FA6]  }
0x30: {  	s3 =	sld [smem:$0x3FA9]  }
0x31: {  	[smem:$0x3FB2] =	sst s10  }
0x32: {  	s10 =	sld [smem:$0x3FB0];
	_ =	sdelay $0x3  }
0x33: {  	p0 =	seq.s32 s10, $0x1;
	s10 =	sld [smem:$0x3FB2];
	_ =	sdelay $0x3  }
0x34: {  	[smem:$0x3FB2] =	sst s10  }
0x35: {  	s10 =	sld [smem:$0x3FB1];
	_ =	sdelay $0x3  }
0x36: {  	p1 =	seq.s32 s10, $0x1;
	s10 =	sld [smem:$0x3FB2];
	_ =	sdelay $0x3  }
0x37: {  	[smem:$0x3FB2] =	sst s10  }
0x38: {  	s10 =	sld [smem:$0x3FB3]  }
0x39: {  	_ = 	snop;
	(pc) =	sbr.ind lr, $3  }
0x3a: {  	_ = 	snop  }
0x3b: {  	_ = 	snop  }
0x3c: {  	p2 =	seq.s32 s10, $0x1;
	s10 =	sld [smem:$0x3FB2]  }
0x3d: {  	_ =	shalt  }
0x3e: {  	_ =	shalt  }
0x3f: {  	_ =	shalt  }
0x40: {  	_ =	shalt  }
0x41: {  	_ =	shalt  }
0x42: {  	_ =	shalt  }
0x43: {  	_ =	shalt  }
0x44: {  	_ =	shalt  }
0x45: {  	_ =	shalt  }
0x46: {  	_ =	shalt  }
0x47: {  	_ =	shalt  }
0x48: {  	_ =	shalt  }
0x49: {  	_ =	shalt  }
0x4a: {  	_ =	shalt  }
0x4b: {  	_ =	shalt  }
0x4c: {  	_ =	shalt  }
0x4d: {  	_ =	shalt  }
0x4e: {  	_ =	shalt  }
0x4f: {  	_ =	shalt  }
0x50: {  	_ =	shalt  }
0x51: {  	_ =	shalt  }
0x52: {  	_ =	shalt  }
0x53: {  	_ =	shalt  }
0x54: {  	_ =	shalt  }
0x55: {  	_ =	shalt  }
0x56: {  	_ =	shalt  }
0x57: {  	_ =	shalt  }
0x58: {  	_ =	shalt  }
0x59: {  	_ =	shalt  }
0x5a: {  	_ =	shalt  }
0x5b: {  	_ =	shalt  }
0x5c: {  	_ =	shalt  }
0x5d: {  	_ =	shalt  }
0x5e: {  	_ =	shalt  }
0x5f: {  	_ =	shalt  }
0x60: {  	_ =	shalt  }
0x61: {  	_ =	shalt  }
0x62: {  	_ =	shalt  }
0x63: {  	_ =	shalt  }
0x64: {  	_ =	shalt  }
0x65: {  	_ =	shalt  }
0x66: {  	_ =	shalt  }
0x67: {  	_ =	shalt  }
0x68: {  	_ =	shalt  }
0x69: {  	_ =	shalt  }
0x6a: {  	_ =	shalt  }
0x6b: {  	_ =	shalt  }
0x6c: {  	_ =	shalt  }
0x6d: {  	_ =	shalt  }
0x6e: {  	_ =	shalt  }
0x6f: {  	_ =	shalt  }
0x70: {  	_ =	shalt  }
0x71: {  	_ =	shalt  }
0x72: {  	_ =	shalt  }
0x73: {  	_ =	shalt  }
0x74: {  	_ =	shalt  }
0x75: {  	_ =	shalt  }
0x76: {  	_ =	shalt  }
0x77: {  	_ =	shalt  }
0x78: {  	_ =	shalt  }
0x79: {  	_ =	shalt  }
0x7a: {  	_ =	shalt  }
0x7b: {  	_ =	shalt  }
0x7c: {  	_ =	shalt  }
0x7d: {  	_ =	shalt  }
0x7e: {  	_ =	shalt  }
0x7f: {  	_ =	shalt  }
0x80: {  	_ =	shalt  }
0x81: {  	_ =	shalt  }
0x82: {  	_ =	shalt  }
0x83: {  	_ =	shalt  }
0x84: {  	_ =	shalt  }
0x85: {  	_ =	shalt  }
0x86: {  	_ =	shalt  }
0x87: {  	_ =	shalt  }
.Lfunc_end0:
.L_simem_size_0:
called_computation.2_lowered:
.L_overlay_start_0:
0x88: {  	s2 =	sld [smem:$0x3FD9]  }
0x89: {  	s3 =	sld [smem:$0x3FFE];
	_ =	sdelay $0x1  }
0x8a: {  	s1 =	srdreg.scid  }
0x8b: {  	s0 =	sand.u32 $0x1, s1  }
0x8c: {  	s17 =	sshll.u32 s0, $0xA;
	s2 =	sadd.s32 s3, s2  }
0x8d: {  	s2 =	sadd.s32 s2, s17  }
0x8e: {  	[smem:$0x3FBE] =	sst s2  }
0x8f: {  	_ = 	snop  }
0x90: {  	s2 =	sld [smem:$0x3FD0];
	(tm) =	ssettm $0x1  }
0x91: {  	s18 =	sld [smem:$0x3FFB];
	_ =	sdelay $0x3  }
0x92: {  	_ =	strace s18  }
0x93: {  	s3 =	sld [smem:$0x3FFC];
	_ =	sdelay $0x3  }
0x94: {  	_ =	strace s3  }
0x95: {  	s3 =	sld [smem:$0x3FFD];
	_ =	sdelay $0x3  }
0x96: {  	_ =	strace s3  }
0x97: {  	_ =	strace $0x8FFFFFFF  }
0x98: {  	s19 =	sld [smem:$0x3FDB];
	_ =	sdelay $0x1  }
0x99: {  	s4 =	simm.s32 $_scs_section_size  }
0x9a: {  	s5 =	simm.s32 $_size__tile_overlayer_lowered;
	s6 =	simm.s32 $_tile_overlayer_lowered  }
0x9b: {  	s22 =	simm.s32 $0x1BFF;
	s21 =	sshll.u32 s6, $0x1;
	s3 =	sadd.s32 s4, s19  }
0x9c: {  	s7 =	simm.s32 $0x0;
	s20 =	sshll.u32 s5, $0x1;
	s5 =	sadd.s32 s21, s3  }
0x9d: {  	[timem:s7], [sflag:s22] =	dma.local [hbm:s5], s20  }
0x9e: {  	_ =	swait.ge [sflag:s22], s20  }
0x9f: {  	s4 =	ssub.s32 $0x0, s20;
	[sflag:s22] =	ssyncset.done $0x0  }
0xa0: {  	[sflag:s22] =	ssyncadd.s32 s4;
	_ =	sdelay $0x1  }
0xa1: {  	s23 =	simm.s32 $0x1B8B  }
0xa2: {  	_ =	swait.ge [sflag:s23], $0x1  }
0xa3: {  	[sflag:s23] =	ssyncset.done $0x0  }
0xa4: {  	s25 =	simm.s32 $0x1B8E;
	s24 =	sld [smem:$0x3FFE];
	[sflag:s23] =	ssyncadd.s32 $0xFFFFFFFF  }
0xa5: {  	s26 =	simm.s32 $execute0_lowered;
	[smem:$0x3FD2] =	sst s25  }
0xa6: {  	s5 =	sshll.u32 s26, $0x1;
	_ =	strace $0x8000004C;
	[dreg:$0x1] =	wrdreg $0xFFFFFFFF  }
0xa7: {  	s28 =	simm.s32 $_size_execute0_lowered;
	s3 =	sadd.s32 s3, s5;
	[dreg:$0x0] =	wrdreg $0x0  }
0xa8: {  	s5 =	sshll.u32 s28, $0x1;
	[dreg:$0x2] =	wrdreg s3  }
0xa9: {  	[dreg:$0x3] =	wrdreg s5  }
0xaa: {  	[dreg:$0x4] =	wrdreg $0xC0  }
0xab: {  	_ =	task [dreg:s7], $0x5FFFF  }
0xac: {  	[dreg:$0x1] =	wrdreg $0xFFFFFFFF  }
0xad: {  	[dreg:$0x0] =	wrdreg $0x60  }
0xae: {  	[dreg:$0x2] =	wrdreg s24  }
0xaf: {  	[dreg:$0x3] =	wrdreg s2  }
0xb0: {  	[dreg:$0x4] =	wrdreg $0x187900  }
0xb1: {  	[dreg:$0x5] =	wrdreg $0x1AF900  }
0xb2: {  	[dreg:$0x6] =	wrdreg $0x9  }
0xb3: {  	_ =	task.clear_ibuf [dreg:s7], $0x7FFFF;
	_ =	strace $0x9000004C  }
0xb4: {  	s29 =	simm.s32 $0x9;
	_ =	strace $0x8000004E  }
0xb5: {  	_ =	swait.ge [sflag:s29], $0x1  }
0xb6: {  	[sflag:s29] =	ssyncadd.s32 $0xFFFFFFFF  }
0xb7: {  	_ =	strace $0x9000004E  }
0xb8: {  	_ =	sfence  }
0xb9: {  	s30 =	sld [smem:$0x0];
	_ =	sdelay $0x2  }
0xba: {  	s31 =	sshll.u32 s1, $0xD;
	s1 =	sshrl.u32 s1, $0x2  }
0xbb: {  	s3 =	sand.u32 $0x4000, s31;
	s1 =	sadd.s32 s1, s30  }
0xbc: {  	s0 =	sor.u32 s3, s0;
	s1 =	sshll.u32 s1, $0x11  }
0xbd: {  	s0 =	sor.u32 s1, s0  }
0xbe: {  	s0 =	sadd.s32 $0x8F2B, s0  }
0xbf: {  	[sflag:s0] =	ssyncadd.remote.s32 $0x1  }
0xc0: {  	_ =	sfence.sel $0xFFFF  }
0xc1: {  	[dreg:$0x0] =	wrdreg $0xFFFFFFFF;
	(pc) =	sbr.abs _section_cstart, $3  }
0xc2: {  	[dreg:$0x1] =	wrdreg $0xFFFFFFFF  }
0xc3: {  	_ =	task.clear_ibuf [dreg:s7], $0x2FFFF;
	_ =	strace $0x9FFFFFFF  }
0xc4: {  	(tm) =	ssettm $0x7FFFFFFF  }
0xc5: {  	_ =	shalt  }
tec
execute0_lowered:
.L_overlay_start_1:
0x0: {  	(tag) =	ssettag $0x1  }
0x1: {  	s0 =	rddreg [dreg:$0x0]  }
0x2: {  	s2 =	rddreg [dreg:$0x1]  }
0x3: {  	s1 =	rddreg [dreg:$0x2];
	s4 =	srdreg.scid  }
0x4: {  	s3 =	rddreg [dreg:$0x3];
	s9 =	stileid.u32;
	s30 =	simm.s32 $0x2  }
0x5: {  	s31 =	simm.s32 $0x1388;
	s5 =	sand.u32 $0x1, s4;
	s4 =	simm.s32 $0x0  }
0x6: {  	s12 =	smul.u32 $0x2800, s9;
	s6 =	sshll.u32 s5, $0x4;
	[smem:$0x7FF] =	sst s4  }
0x7: {  	s5 =	ssub.s32 $0x2, s5;
	s6 =	sor.u32 s9, s6;
	_ =	strace $0x8000004D  }
0x8: {  	s8 =	sshrl.u32 s12, $0x3;
	s9 =	sand.u32 $0x3, s9;
	s7 =	smul.u32 $0x271, s6  }
0x9: {  	s22 =	sshrl.u32 s5, $0x1;
	s11 =	sadd.s32 s8, s0;
	s10 =	smul.u32 $0x13880, s9  }
0xa: {  	p0 =	seq.s32 s6, $0x0;
	p1 =	sne.s32 s9, $0x0;
	s13 =	ssub.s32 s5, s22  }
0xb: {  	s8 =	simm.s32 $0x1;
	s6 =	sshrl.u32 s6, $0x2;
	p0 =	por !p1, !p0  }
0xc: {  	s5 =	simm.s32 $0x1;
	s9 =	sadd.s32 s12, s1;
	p0 =	por !p0, !p0  }
0xd: {  	s12 =	sadd.s32 s12, s3;
	s7 =	sadd.s32 s7, s0;
	s8 =	simm.s32 @!p0 $0x0  }
0xe: {  	s0 =	sadd.s32 s10, s0;
	s10 =	sadd.s32 s2, s10;
	s14 =	ssub.s32 s6, s8  }
0xf: {  	s2 =	sadd.s32 $0xE, s10;
	s23 =	sadd.s32 $0xC, s10;
	p0 =	sgt.s32 s14, $0x3  }
0x10: {  	s24 =	sadd.s32 $0xA, s10;
	[dreg:$0x5] =	wrdreg s2;
	s2 =	simm.s32 @!p0 $0x0  }
0x11: {  	s25 =	sadd.s32 $0x8, s10;
	s2 =	simm.s32 @p0 $0x1;
	p0 =	sgt.s32 s14, $0x1  }
0x12: {  	s17 =	sadd.s32 $0x17800, s0;
	[smem:$0x7F2] =	sst s2;
	s2 =	simm.s32 @!p0 $0x0  }
0x13: {  	s18 =	sadd.s32 $0x17802, s0;
	s2 =	simm.s32 @p0 $0x1;
	p0 =	seq.s32 s14, $0x0  }
0x14: {  	s19 =	sadd.s32 $0x17804, s0;
	[smem:$0x7F3] =	sst s2;
	s2 =	simm.s32 @!p0 $0x0  }
0x15: {  	s20 =	sadd.s32 $0x17806, s0;
	s2 =	simm.s32 @p0 $0x1;
	p0 =	seq.s32 s14, $0x1  }
0x16: {  	s21 =	sadd.s32 $0x17808, s0;
	[smem:$0x7F4] =	sst s2;
	s2 =	simm.s32 @!p0 $0x0  }
0x17: {  	s22 =	sadd.s32 $0x1780A, s0;
	s2 =	simm.s32 @p0 $0x1;
	p0 =	seq.s32 s14, $0x2  }
0x18: {  	s26 =	sadd.s32 $0x6, s10;
	[smem:$0x7F5] =	sst s2;
	s2 =	simm.s32 @!p0 $0x0  }
0x19: {  	s28 =	sadd.s32 $0x4, s10;
	s2 =	simm.s32 @p0 $0x1;
	p0 =	seq.s32 s14, $0x3  }
0x1a: {  	s29 =	sadd.s32 $0x2, s10;
	[smem:$0x7F6] =	sst s2;
	s2 =	simm.s32 @!p0 $0x0  }
0x1b: {  	s6 =	sadd.s32 $0x8800, s7;
	s2 =	simm.s32 @p0 $0x1;
	p0 =	sne.s32 s14, $0x0  }
0x1c: {  	s7 =	sadd.s32 $0x3800, s7;
	[smem:$0x7F7] =	sst s2;
	s2 =	simm.s32 @!p0 $0x0  }
0x1d: {  	[dreg:$0x6] =	wrdreg s23;
	s2 =	simm.s32 @p0 $0x1;
	p0 =	sgt.s32 s14, $0x5  }
0x1e: {  	s8 =	sadd.s32 $0xD800, s11;
	[smem:$0x7F8] =	sst s2;
	s2 =	simm.s32 @!p0 $0x0  }
0x1f: {  	[dreg:$0x7] =	wrdreg s24;
	s2 =	simm.s32 @p0 $0x1;
	p0 =	seq.s32 s14, $0x4  }
0x20: {  	s11 =	sadd.s32 $0x12800, s11;
	[smem:$0x7F9] =	sst s2;
	s2 =	simm.s32 @!p0 $0x0  }
0x21: {  	[dreg:$0x8] =	wrdreg s25;
	s2 =	simm.s32 @p0 $0x1;
	p0 =	seq.s32 s14, $0x5  }
0x22: {  	s23 =	sadd.s32 $0x1780C, s0;
	[smem:$0x7FA] =	sst s2;
	s2 =	simm.s32 @!p0 $0x0  }
0x23: {  	s24 =	sadd.s32 $0x1780E, s0;
	s2 =	simm.s32 @p0 $0x1;
	p0 =	seq.s32 s14, $0x6  }
.Ltmp0:
0x24: {  	[smem:$0x7FB] =	sst s2;
	s2 =	simm.s32 @!p0 $0x0;
	(pc) =	sbr.rel .LBB2_1-.Ltmp0, $4  }
0x25: {  	[dreg:$0x9] =	wrdreg s26;
	s2 =	simm.s32 @p0 $0x1;
	p0 =	seq.s32 s14, $0x7  }
0x26: {  	s25 =	smax.u32 s13, $0x1;
	[smem:$0x7FC] =	sst s2;
	s2 =	simm.s32 @!p0 $0x0  }
0x27: {  	s0 =	simm.s32 $0x15F90;
	s13 =	simm.s32 $0x10;
	s2 =	simm.s32 @p0 $0x1  }
0x28: {  	s14 =	simm.s32 $0x80;
	[smem:$0x7FD] =	sst s2;
	s2 =	simm.s32 $0x2710  }
.LBB2_21:
0x29: {  	p0 =	por $0x0, $0x0  }
0x2a: {  	s15 =	simm.s32 @!p0 $0x0  }
0x2b: {  	p4 =	por $0x1, $0x1;
	p5 =	por $0x0, $0x0;
	s15 =	simm.s32 @p0 $0x1  }
0x2c: {  	p2 =	por $0x0, $0x0;
	p3 =	por $0x0, $0x0;
	[smem:$0x7F1] =	sst s15  }
0x2d: {  	p1 =	por $0x0, $0x0;
	p0 =	por $0x0, $0x0;
	s15 =	rddreg [dreg:$0x6]  }
.LBB2_24:
0x2e: {  	[hbm4b:s15+s13] =	stream.strided.scatter [tilespmem:s2], [sflag:$0x2], $0x13880, s14, s13, $0x38;
	[tilespmem:$0x1D790] =	vst v63  }
0x2f: {  	_ =	swait.ge [sflag:s30], $0x13880  }
0x30: {  	[sflag:s30] =	ssyncset.done $0x0  }
0x31: {  	[sflag:s30] =	ssyncadd.s32 $0xFFFEC780  }
.LBB2_25:
0x32: {  	[tilespmem:s2], [sflag:$0x1] =	stream.indirect.gather [spmem:s3], $0x10, s31, s31, $0xb8;
	[tilespmem:$0x1D790] =	vst v63  }
0x33: {  	_ =	swait.ge [sflag:s5], $0x13880  }
0x34: {  	s15 =	sld [smem:$0x7F8];
	_ =	sdelay $0x1  }
0x35: {  	[sflag:s5] =	ssyncset.done $0x0  }
0x36: {  	[sflag:s5] =	ssyncadd.s32 $0xFFFEC780;
	p6 =	seq.s32 s15, $0x1  }
0x37: {  	s15 =	simm.s32 @!p6 $0x10;
	s16 =	simm.s32 @!p6 $0x80;
	s26 =	simm.s32 @!p6 $0x2710  }
0x38: {  	[hbm4b:s17+s15] =	stream.strided.scatter @!p6 [tilespmem:s26], [sflag:$0x2], $0x13880, s16, s15, $0x38;
	[tilespmem:$0x1D790] =	vst v63  }
0x39: {  	s15 =	simm.s32 @!p6 $0x2  }
0x3a: {  	_ =	swait.ge @!p6 [sflag:s15], $0x13880  }
0x3b: {  	s16 =	simm.s32 @p3 $0x80;
	[sflag:s15] =	ssyncset.done @!p6 $0x0  }
0x3c: {  	s26 =	simm.s32 @p3 $0x2710;
	[sflag:s15] =	ssyncadd.s32 @!p6 $0xFFFEC780;
	s15 =	simm.s32 @p3 $0x10  }
0x3d: {  	[hbm4b:s18+s15] =	stream.strided.scatter @p3 [tilespmem:s26], [sflag:$0x2], $0x13880, s16, s15, $0x38;
	[tilespmem:$0x1D790] =	vst v63  }
0x3e: {  	s15 =	simm.s32 @p3 $0x2  }
0x3f: {  	_ =	swait.ge @p3 [sflag:s15], $0x13880  }
0x40: {  	s16 =	simm.s32 @p0 $0x80;
	[sflag:s15] =	ssyncset.done @p3 $0x0  }
0x41: {  	s26 =	simm.s32 @p0 $0x2710;
	[sflag:s15] =	ssyncadd.s32 @p3 $0xFFFEC780;
	s15 =	simm.s32 @p0 $0x10  }
0x42: {  	[hbm4b:s19+s15] =	stream.strided.scatter @p0 [tilespmem:s26], [sflag:$0x2], $0x13880, s16, s15, $0x38;
	[tilespmem:$0x1D790] =	vst v63  }
0x43: {  	s15 =	simm.s32 @p0 $0x2  }
0x44: {  	_ =	swait.ge @p0 [sflag:s15], $0x13880  }
0x45: {  	s16 =	simm.s32 @p2 $0x80;
	[sflag:s15] =	ssyncset.done @p0 $0x0  }
0x46: {  	s26 =	simm.s32 @p2 $0x2710;
	[sflag:s15] =	ssyncadd.s32 @p0 $0xFFFEC780;
	s15 =	simm.s32 @p2 $0x10  }
0x47: {  	[hbm4b:s20+s15] =	stream.strided.scatter @p2 [tilespmem:s26], [sflag:$0x2], $0x13880, s16, s15, $0x38;
	[tilespmem:$0x1D790] =	vst v63  }
0x48: {  	s15 =	simm.s32 @p2 $0x2  }
0x49: {  	_ =	swait.ge @p2 [sflag:s15], $0x13880  }
0x4a: {  	s16 =	simm.s32 @p1 $0x80;
	[sflag:s15] =	ssyncset.done @p2 $0x0  }
0x4b: {  	s26 =	simm.s32 @p1 $0x2710;
	[sflag:s15] =	ssyncadd.s32 @p2 $0xFFFEC780;
	s15 =	simm.s32 @p1 $0x10  }
0x4c: {  	[hbm4b:s21+s15] =	stream.strided.scatter @p1 [tilespmem:s26], [sflag:$0x2], $0x13880, s16, s15, $0x38;
	[tilespmem:$0x1D790] =	vst v63  }
0x4d: {  	s15 =	simm.s32 @p1 $0x2  }
0x4e: {  	_ =	swait.ge @p1 [sflag:s15], $0x13880  }
0x4f: {  	s26 =	sld [smem:$0x7F1];
	_ =	sdelay $0x1  }
0x50: {  	[sflag:s15] =	ssyncset.done @p1 $0x0  }
0x51: {  	[sflag:s15] =	ssyncadd.s32 @p1 $0xFFFEC780;
	p0 =	seq.s32 s26, $0x1  }
0x52: {  	s15 =	simm.s32 @p0 $0x10;
	s16 =	simm.s32 @p0 $0x80;
	s26 =	simm.s32 @p0 $0x2710  }
0x53: {  	[hbm4b:s22+s15] =	stream.strided.scatter @p0 [tilespmem:s26], [sflag:$0x2], $0x13880, s16, s15, $0x38;
	[tilespmem:$0x1D790] =	vst v63  }
0x54: {  	s15 =	simm.s32 @p0 $0x2  }
0x55: {  	_ =	swait.ge @p0 [sflag:s15], $0x13880  }
0x56: {  	s16 =	simm.s32 @p4 $0x80;
	[sflag:s15] =	ssyncset.done @p0 $0x0  }
0x57: {  	s26 =	simm.s32 @p4 $0x2710;
	[sflag:s15] =	ssyncadd.s32 @p0 $0xFFFEC780;
	s15 =	simm.s32 @p4 $0x10  }
0x58: {  	[hbm4b:s23+s15] =	stream.strided.scatter @p4 [tilespmem:s26], [sflag:$0x2], $0x13880, s16, s15, $0x38;
	[tilespmem:$0x1D790] =	vst v63  }
0x59: {  	s15 =	simm.s32 @p4 $0x2  }
0x5a: {  	s25 =	sadd.s32 $0xFFFFFFFF, s25;
	_ =	swait.ge @p4 [sflag:s15], $0x13880  }
0x5b: {  	p0 =	sne.s32 s25, $0x0;
	s16 =	simm.s32 @p5 $0x80;
	[sflag:s15] =	ssyncset.done @p4 $0x0  }
0x5c: {  	s26 =	simm.s32 @p5 $0x2710;
	[sflag:s15] =	ssyncadd.s32 @p4 $0xFFFEC780;
	s15 =	simm.s32 @p5 $0x10  }
0x5d: {  	[hbm4b:s24+s15] =	stream.strided.scatter @p5 [tilespmem:s26], [sflag:$0x2], $0x13880, s16, s15, $0x38;
	[tilespmem:$0x1D790] =	vst v63  }
.Ltmp1:
0x5e: {  	_ = 	snop;
	(pc) =	sbr.rel @!p0 .LBB2_26-.Ltmp1, $4  }
0x5f: {  	s15 =	simm.s32 @p5 $0x2  }
0x60: {  	_ =	swait.ge @p5 [sflag:s15], $0x13880  }
0x61: {  	[sflag:s15] =	ssyncset.done @p5 $0x0  }
0x62: {  	[sflag:s15] =	ssyncadd.s32 @p5 $0xFFFEC780  }
.LBB2_1:
0x63: {  	[tilespmem:s4], [sflag:$0x2] =	stream.linear.gather [hbm4b:s6+s4], $0x1388, $0x38;
	[tilespmem:$0x1D790] =	vst v63  }
0x64: {  	_ =	swait.ge [sflag:s30], $0x1388  }
0x65: {  	[sflag:s30] =	ssyncset.done $0x0  }
0x66: {  	[sflag:s30] =	ssyncadd.s32 $0xFFFFEC78  }
0x67: {  	[tilespmem:s31], [sflag:$0x2] =	stream.linear.gather [hbm4b:s7+s4], $0x1388, $0x38;
	[tilespmem:$0x1D790] =	vst v63  }
0x68: {  	_ =	swait.ge [sflag:s30], $0x1388  }
0x69: {  	[sflag:s30] =	ssyncset.done $0x0  }
0x6a: {  	[sflag:s30] =	ssyncadd.s32 $0xFFFFEC78  }
0x6b: {  	[tilespmem:s0], [sflag:$0x2] =	stream.linear.gather [hbm4b:s8+s4], $0x2800, $0x38;
	[tilespmem:$0x1D790] =	vst v63  }
0x6c: {  	_ =	swait.ge [sflag:s30], $0x2800  }
0x6d: {  	[sflag:s30] =	ssyncset.done $0x0  }
0x6e: {  	[sflag:s30] =	ssyncadd.s32 $0xFFFFD800  }
0x6f: {  	[spmem:s9] =	stream.linear.scatter [tilespmem:s0], [sflag:$0x2], $0x2800, $0x38;
	[tilespmem:$0x1D790] =	vst v63  }
0x70: {  	_ =	swait.ge [sflag:s30], $0x2800  }
0x71: {  	[sflag:s30] =	ssyncset.done $0x0  }
0x72: {  	[sflag:s30] =	ssyncadd.s32 $0xFFFFD800  }
0x73: {  	[tilespmem:s0], [sflag:$0x2] =	stream.linear.gather [hbm4b:s11+s4], $0x2800, $0x38;
	[tilespmem:$0x1D790] =	vst v63  }
0x74: {  	_ =	swait.ge [sflag:s30], $0x2800  }
0x75: {  	[sflag:s30] =	ssyncset.done $0x0  }
0x76: {  	[sflag:s30] =	ssyncadd.s32 $0xFFFFD800  }
0x77: {  	[spmem:s12] =	stream.linear.scatter [tilespmem:s0], [sflag:$0x2], $0x2800, $0x38;
	[tilespmem:$0x1D790] =	vst v63  }
0x78: {  	_ =	swait.ge [sflag:s30], $0x2800  }
0x79: {  	[sflag:s30] =	ssyncset.done $0x0  }
0x7a: {  	[sflag:s30] =	ssyncadd.s32 $0xFFFFD800  }
0x7b: {  	[bflag:$0x0] =	sbarrier.arrive $0xFFFF  }
0x7c: {  	[tilespmem:s2], [sflag:$0x1] =	stream.indirect.gather [spmem:s1], $0x10, s4, s31, $0xb8;
	[tilespmem:$0x1D790] =	vst v63  }
0x7d: {  	_ =	swait.ge [sflag:s5], $0x13880  }
0x7e: {  	s15 =	sld [smem:$0x7F2];
	_ =	sdelay $0x2  }
0x7f: {  	p0 =	seq.s32 s15, $0x1  }
.Ltmp2:
0x80: {  	_ = 	snop;
	(pc) =	sbr.rel @p0 .LBB2_10-.Ltmp2, $3  }
0x81: {  	_ =	sdelay $0x1  }
0x82: {  	[sflag:s5] =	ssyncset.done $0x0  }
0x83: {  	p4 =	por $0x0, $0x0;
	[sflag:s5] =	ssyncadd.s32 $0xFFFEC780  }
0x84: {  	s15 =	sld [smem:$0x7F3];
	_ =	sdelay $0x2  }
0x85: {  	p0 =	seq.s32 s15, $0x1  }
.Ltmp3:
0x86: {  	_ = 	snop;
	(pc) =	sbr.rel @p0 .LBB2_7-.Ltmp3, $1  }
0x87: {  	_ =	sdelay $0x3  }
0x88: {  	s15 =	sld [smem:$0x7F4];
	_ =	sdelay $0x2  }
0x89: {  	p0 =	seq.s32 s15, $0x1  }
.Ltmp4:
0x8a: {  	_ = 	snop;
	(pc) =	sbr.rel @p0 .LBB2_4-.Ltmp4, $1  }
0x8b: {  	_ =	sdelay $0x3  }
0x8c: {  	s15 =	sld [smem:$0x7F5];
	_ =	sdelay $0x2  }
0x8d: {  	p0 =	seq.s32 s15, $0x1  }
.Ltmp5:
0x8e: {  	_ = 	snop;
	(pc) =	sbr.rel @!p0 .LBB2_6-.Ltmp5, $1  }
0x8f: {  	_ =	sdelay $0x3  }
.Ltmp6:
0x90: {  	(pc) =	sbr.rel .LBB2_24-.Ltmp6, $4  }
0x91: {  	p0 =	por $0x0, $0x0  }
0x92: {  	p3 =	por $0x1, $0x1;
	p5 =	por $0x0, $0x0;
	s15 =	simm.s32 @!p0 $0x0  }
0x93: {  	p2 =	por $0x0, $0x0;
	p1 =	por $0x0, $0x0;
	s15 =	simm.s32 @p0 $0x1  }
0x94: {  	p0 =	por $0x0, $0x0;
	[smem:$0x7F1] =	sst s15;
	s15 =	smov.u32 s29  }
.LBB2_10:
0x95: {  	s15 =	sld [smem:$0x7F9];
	_ =	sdelay $0x2  }
0x96: {  	p0 =	seq.s32 s15, $0x1  }
.Ltmp7:
0x97: {  	_ = 	snop;
	(pc) =	sbr.rel @p0 .LBB2_14-.Ltmp7, $1  }
0x98: {  	_ =	sdelay $0x3  }
0x99: {  	s15 =	sld [smem:$0x7FA];
	_ =	sdelay $0x2  }
0x9a: {  	p0 =	seq.s32 s15, $0x1  }
.Ltmp8:
0x9b: {  	_ = 	snop;
	(pc) =	sbr.rel @p0 .LBB2_19-.Ltmp8, $1  }
0x9c: {  	_ =	sdelay $0x3  }
0x9d: {  	s15 =	sld [smem:$0x7FB];
	_ =	sdelay $0x2  }
0x9e: {  	p0 =	seq.s32 s15, $0x1  }
.Ltmp9:
0x9f: {  	_ = 	snop;
	(pc) =	sbr.rel @!p0 .LBB2_13-.Ltmp9, $1  }
0xa0: {  	_ =	sdelay $0x3  }
.Ltmp10:
0xa1: {  	p0 =	por $0x1, $0x1;
	(pc) =	sbr.rel .LBB2_24-.Ltmp10, $4  }
0xa2: {  	s15 =	simm.s32 @!p0 $0x0  }
0xa3: {  	p5 =	por $0x0, $0x0;
	s15 =	simm.s32 @p0 $0x1  }
0xa4: {  	p2 =	por $0x0, $0x0;
	p3 =	por $0x0, $0x0;
	[smem:$0x7F1] =	sst s15  }
0xa5: {  	p1 =	por $0x0, $0x0;
	p0 =	por $0x0, $0x0;
	s15 =	rddreg [dreg:$0x7]  }
.LBB2_7:
0xa6: {  	s15 =	sld [smem:$0x7F6];
	_ =	sdelay $0x2  }
0xa7: {  	p0 =	seq.s32 s15, $0x1  }
.Ltmp11:
0xa8: {  	_ = 	snop;
	(pc) =	sbr.rel @p0 .LBB2_17-.Ltmp11, $1  }
0xa9: {  	_ =	sdelay $0x3  }
0xaa: {  	s15 =	sld [smem:$0x7F7];
	_ =	sdelay $0x2  }
0xab: {  	p0 =	seq.s32 s15, $0x1  }
.Ltmp12:
0xac: {  	_ = 	snop;
	(pc) =	sbr.rel @!p0 .LBB2_9-.Ltmp12, $1  }
0xad: {  	_ =	sdelay $0x3  }
.Ltmp13:
0xae: {  	p0 =	por $0x0, $0x0;
	(pc) =	sbr.rel .LBB2_24-.Ltmp13, $4  }
0xaf: {  	s15 =	simm.s32 @!p0 $0x0  }
0xb0: {  	p2 =	por $0x1, $0x1;
	s15 =	simm.s32 @p0 $0x1  }
0xb1: {  	p5 =	por $0x0, $0x0;
	p3 =	por $0x0, $0x0;
	[smem:$0x7F1] =	sst s15  }
0xb2: {  	p1 =	por $0x0, $0x0;
	p0 =	por $0x0, $0x0;
	s15 =	rddreg [dreg:$0x9]  }
.LBB2_14:
0xb3: {  	s15 =	sld [smem:$0x7FC];
	_ =	sdelay $0x2  }
0xb4: {  	p0 =	seq.s32 s15, $0x1  }
.Ltmp14:
0xb5: {  	_ = 	snop;
	(pc) =	sbr.rel @p0 .LBB2_21-.Ltmp14, $1  }
0xb6: {  	_ =	sdelay $0x3  }
0xb7: {  	s15 =	sld [smem:$0x7FD];
	_ =	sdelay $0x2  }
0xb8: {  	p0 =	seq.s32 s15, $0x1  }
.Ltmp15:
0xb9: {  	_ = 	snop;
	(pc) =	sbr.rel @!p0 .LBB2_16-.Ltmp15, $1  }
0xba: {  	_ =	sdelay $0x3  }
.Ltmp16:
0xbb: {  	p0 =	por $0x0, $0x0;
	(pc) =	sbr.rel .LBB2_24-.Ltmp16, $4  }
0xbc: {  	s15 =	simm.s32 @!p0 $0x0  }
0xbd: {  	p5 =	por $0x1, $0x1;
	s15 =	simm.s32 @p0 $0x1  }
0xbe: {  	p2 =	por $0x0, $0x0;
	p3 =	por $0x0, $0x0;
	[smem:$0x7F1] =	sst s15  }
0xbf: {  	p1 =	por $0x0, $0x0;
	p0 =	por $0x0, $0x0;
	s15 =	rddreg [dreg:$0x5]  }
.LBB2_4:
.Ltmp17:
0xc0: {  	(pc) =	sbr.rel .LBB2_24-.Ltmp17, $4  }
0xc1: {  	p0 =	por $0x0, $0x0  }
0xc2: {  	p5 =	por $0x0, $0x0;
	p2 =	por $0x0, $0x0;
	s15 =	simm.s32 @!p0 $0x0  }
0xc3: {  	p3 =	por $0x0, $0x0;
	p1 =	por $0x0, $0x0;
	s15 =	simm.s32 @p0 $0x1  }
0xc4: {  	p0 =	por $0x0, $0x0;
	[smem:$0x7F1] =	sst s15;
	s15 =	smov.u32 s10  }
.LBB2_19:
.Ltmp18:
0xc5: {  	p0 =	por $0x0, $0x0;
	(pc) =	sbr.rel .LBB2_24-.Ltmp18, $4  }
0xc6: {  	s15 =	simm.s32 @!p0 $0x0  }
0xc7: {  	p1 =	por $0x1, $0x1;
	s15 =	simm.s32 @p0 $0x1  }
0xc8: {  	p5 =	por $0x0, $0x0;
	p2 =	por $0x0, $0x0;
	[smem:$0x7F1] =	sst s15  }
0xc9: {  	p3 =	por $0x0, $0x0;
	p0 =	por $0x0, $0x0;
	s15 =	rddreg [dreg:$0x8]  }
.LBB2_17:
.Ltmp19:
0xca: {  	(pc) =	sbr.rel .LBB2_24-.Ltmp19, $4  }
0xcb: {  	p1 =	por $0x0, $0x0  }
0xcc: {  	p0 =	por $0x1, $0x1;
	p5 =	por $0x0, $0x0;
	s15 =	simm.s32 @!p1 $0x0  }
0xcd: {  	p2 =	por $0x0, $0x0;
	p3 =	por $0x0, $0x0;
	s15 =	simm.s32 @p1 $0x1  }
0xce: {  	p1 =	por $0x0, $0x0;
	[smem:$0x7F1] =	sst s15;
	s15 =	smov.u32 s28  }
.LBB2_6:
.Ltmp20:
0xcf: {  	(pc) =	sbr.rel .LBB2_25-.Ltmp20, $4  }
0xd0: {  	p0 =	por $0x0, $0x0  }
0xd1: {  	p2 =	por $0x0, $0x0;
	p3 =	por $0x0, $0x0;
	s15 =	simm.s32 @!p0 $0x0  }
0xd2: {  	p1 =	por $0x0, $0x0;
	p5 =	por $0x0, $0x0;
	s15 =	simm.s32 @p0 $0x1  }
0xd3: {  	p4 =	por $0x0, $0x0;
	p0 =	por $0x0, $0x0;
	[smem:$0x7F1] =	sst s15  }
.LBB2_13:
.Ltmp21:
0xd4: {  	(pc) =	sbr.rel .LBB2_25-.Ltmp21, $4  }
0xd5: {  	p0 =	por $0x0, $0x0  }
0xd6: {  	p2 =	por $0x0, $0x0;
	p3 =	por $0x0, $0x0;
	s15 =	simm.s32 @!p0 $0x0  }
0xd7: {  	p1 =	por $0x0, $0x0;
	p5 =	por $0x0, $0x0;
	s15 =	simm.s32 @p0 $0x1  }
0xd8: {  	p4 =	por $0x0, $0x0;
	p0 =	por $0x0, $0x0;
	[smem:$0x7F1] =	sst s15  }
.LBB2_9:
.Ltmp22:
0xd9: {  	(pc) =	sbr.rel .LBB2_25-.Ltmp22, $4  }
0xda: {  	p0 =	por $0x0, $0x0  }
0xdb: {  	p2 =	por $0x0, $0x0;
	p3 =	por $0x0, $0x0;
	s15 =	simm.s32 @!p0 $0x0  }
0xdc: {  	p1 =	por $0x0, $0x0;
	p5 =	por $0x0, $0x0;
	s15 =	simm.s32 @p0 $0x1  }
0xdd: {  	p4 =	por $0x0, $0x0;
	p0 =	por $0x0, $0x0;
	[smem:$0x7F1] =	sst s15  }
.LBB2_16:
.Ltmp23:
0xde: {  	(pc) =	sbr.rel .LBB2_25-.Ltmp23, $4  }
0xdf: {  	p0 =	por $0x0, $0x0  }
0xe0: {  	p2 =	por $0x0, $0x0;
	p3 =	por $0x0, $0x0;
	s15 =	simm.s32 @!p0 $0x0  }
0xe1: {  	p1 =	por $0x0, $0x0;
	p5 =	por $0x0, $0x0;
	s15 =	simm.s32 @p0 $0x1  }
0xe2: {  	p4 =	por $0x0, $0x0;
	p0 =	por $0x0, $0x0;
	[smem:$0x7F1] =	sst s15  }
.LBB2_26:
0xe3: {  	_ =	sfence.sel $0x180000  }
0xe4: {  	[bflag:$0x0] =	sbarrier.arrive $0xFFFF  }
0xe5: {  	_ =	strace $0x9000004D  }
0xe6: {  	s0 =	stileid.u32;
	[bflag:$0x2] =	sbarrier.arrive $0xFFFF  }
0xe7: {  	p0 =	sne.s32 s0, $0x0;
	s0 =	rddreg [dreg:$0x4]  }
0xe8: {  	s0 =	sadd.s32 @!p0 $0x100000, s0  }
0xe9: {  	[sflag:s0] =	ssyncadd.tile.s32 @!p0 $0x1;
	_ =	shalt  }
.Lfunc_end2:
_tile_overlayer_lowered:
.L_overlay_start_2:
0xea: {  	(tag) =	ssettag $0x2  }
0xeb: {  	s0 =	rddreg [dreg:$0x0];
	s2 =	stileid.u32  }
0xec: {  	s1 =	rddreg [dreg:$0x1];
	p0 =	sne.s32 s2, $0x0  }
0xed: {  	s3 =	rddreg [dreg:$0x2];
	[bflag:$0x3] =	sbarrier.arrive $0xFFFF;
	s2 =	simm.s32 @!p0 $0x1C02  }
0xee: {  	[timem:s3], [sflag:s2] =	dma.local @!p0 [hbm:s0], s1  }
0xef: {  	s0 =	simm.s32 @!p0 $0x2  }
0xf0: {  	_ =	swait.ge @!p0 [sflag:s0], s1  }
0xf1: {  	s1 =	ssub.s32 @!p0 $0x0, s1;
	[sflag:s0] =	ssyncset.done @!p0 $0x0  }
0xf2: {  	[sflag:s0] =	ssyncadd.s32 @!p0 s1  }
0xf3: {  	[bflag:$0x3] =	sbarrier.arrive $0xFFFF  }
0xf4: {  	_ =	shalt  }

// kernel: kernel.9.cloned.1.call-start
scs
__scs_entry_jumppad:
0x0: {  	(pc) =	sbr.rel $0x88, $3  }
0x1: {  	(tag) =	ssettag $0x0;
	lr =	simm.s32 $0x1  }
0x2: {  	[smem:$0x3F97] =	sst lr;
	_ =	strace $0xD0000000  }
0x3: {  	_ = 	snop  }
0x4: {  	_ = 	snop  }
0x5: {  	_ = 	snop  }
0x6: {  	_ = 	snop  }
0x7: {  	_ = 	snop  }
__scs_overlays_trampoline_lowered:
0x8: {  	[smem:$0x3FA6] =	sst s0  }
0x9: {  	[smem:$0x3FA7] =	sst s1  }
0xa: {  	[smem:$0x3FA8] =	sst s2  }
0xb: {  	[smem:$0x3FA9] =	sst s3  }
0xc: {  	[smem:$0x3FAA] =	sst s4  }
0xd: {  	[smem:$0x3FAB] =	sst s5  }
0xe: {  	[smem:$0x3FAC] =	sst s6  }
0xf: {  	[smem:$0x3FAD] =	sst s7  }
0x10: {  	[smem:$0x3FAE] =	sst s8  }
0x11: {  	[smem:$0x3FAF] =	sst s9;
	s0 =	simm.s32 @!p0 $0x0  }
0x12: {  	s1 =	sld [smem:$0x3F95];
	s0 =	simm.s32 @p0 $0x1  }
0x13: {  	[smem:$0x3FB0] =	sst s0;
	s0 =	simm.s32 @!p1 $0x0  }
0x14: {  	s2 =	sld [smem:$0x3F94];
	s0 =	simm.s32 @p1 $0x1  }
0x15: {  	[smem:$0x3FB1] =	sst s0;
	s0 =	simm.s32 @!p2 $0x0  }
0x16: {  	s3 =	sld [smem:$0x3FDB];
	s0 =	simm.s32 @p2 $0x1  }
0x17: {  	s4 =	simm.s32 $0x1BF5;
	[smem:$0x3FB3] =	sst s0  }
0x18: {  	s0 =	sld [smem:$0x3F96];
	_ =	swait.ge [sflag:s4], $0x0  }
0x19: {  	s7 =	sld [smem:$0x3F97]  }
0x1a: {  	s8 =	sadd.s32 $0xFFFFE003, lr  }
0x1b: {  	s9 =	sadd.s32 $0xFFFFFEF7, lr;
	s5 =	simm.s32 $0xFFFFFFFF;
	p2 =	slt.u32 s8, $0xFFFFF086  }
0x1c: {  	p1 =	slt.u32 s9, $0xF7A;
	s5 =	simm.s32 @!p2 $0x0  }
0x1d: {  	s5 =	simm.s32 @p1 $0x1;
	p0 =	seq.s32 s7, s2  }
0x1e: {  	s7 =	smul.u32 @!p0 $0xF7A, s2;
	p2 =	seq.s32 @!p0 s5, $0x0  }
0x1f: {  	s9 =	smul.u32 $0xF7A, s1;
	s8 =	simm.s32 @!p0 $0x1BF5;
	p2 =	por !p2, p0  }
0x20: {  	[sflag:s8] =	ssyncset.s32 @!p0 $0xFFFFF086;
	s6 =	sadd.s32 @!p0 s3, s7;
	s7 =	simm.s32 @!p0 $0x108  }
0x21: {  	s3 =	sadd.s32 s3, s9;
	s6 =	sadd.s32 @!p0 $0x88, s6;
	s7 =	simm.s32 @p2 $0x1082  }
0x22: {  	[simem:s7], [sflag:s8] =	dma.local @!p0 [hbm:s6], $0xF7A  }
0x23: {  	s9 =	sor.u32 $0xD0000000, s2;
	s6 =	simm.s32 $0x108;
	_ =	swait.ge @!p0 [sflag:s8], $0x0  }
0x24: {  	s3 =	sadd.s32 $0x88, s3;
	s6 =	simm.s32 @!p1 $0x1082;
	[sflag:s4] =	ssyncset.s32 $0xFFFFF086  }
0x25: {  	[simem:s6], [sflag:s4] =	dma.local [hbm:s3], $0xF7A  }
0x26: {  	[smem:$0x3F97] =	sst s1;
	(tag) =	ssettag s2;
	_ =	strace s9  }
0x27: {  	s1 =	sld [smem:$0x3FA7]  }
0x28: {  	s2 =	sld [smem:$0x3FA8]  }
0x29: {  	s4 =	sld [smem:$0x3FAA]  }
0x2a: {  	p0 =	seq.s32 s5, $0x0;
	s5 =	sld [smem:$0x3FAB]  }
0x2b: {  	s6 =	sld [smem:$0x3FAC]  }
0x2c: {  	s7 =	sld [smem:$0x3FAD]  }
0x2d: {  	s3 =	simm.s32 $0x108;
	s8 =	sld [smem:$0x3FAE]  }
0x2e: {  	s3 =	simm.s32 @!p0 $0x1082;
	s9 =	sld [smem:$0x3FAF]  }
0x2f: {  	lr =	sadd.s32 s0, s3;
	s0 =	sld [smem:$0x3FA6]  }
0x30: {  	s3 =	sld [smem:$0x3FA9]  }
0x31: {  	[smem:$0x3FB2] =	sst s10  }
0x32: {  	s10 =	sld [smem:$0x3FB0];
	_ =	sdelay $0x3  }
0x33: {  	p0 =	seq.s32 s10, $0x1;
	s10 =	sld [smem:$0x3FB2];
	_ =	sdelay $0x3  }
0x34: {  	[smem:$0x3FB2] =	sst s10  }
0x35: {  	s10 =	sld [smem:$0x3FB1];
	_ =	sdelay $0x3  }
0x36: {  	p1 =	seq.s32 s10, $0x1;
	s10 =	sld [smem:$0x3FB2];
	_ =	sdelay $0x3  }
0x37: {  	[smem:$0x3FB2] =	sst s10  }
0x38: {  	s10 =	sld [smem:$0x3FB3]  }
0x39: {  	_ = 	snop;
	(pc) =	sbr.ind lr, $3  }
0x3a: {  	_ = 	snop  }
0x3b: {  	_ = 	snop  }
0x3c: {  	p2 =	seq.s32 s10, $0x1;
	s10 =	sld [smem:$0x3FB2]  }
0x3d: {  	_ =	shalt  }
0x3e: {  	_ =	shalt  }
0x3f: {  	_ =	shalt  }
0x40: {  	_ =	shalt  }
0x41: {  	_ =	shalt  }
0x42: {  	_ =	shalt  }
0x43: {  	_ =	shalt  }
0x44: {  	_ =	shalt  }
0x45: {  	_ =	shalt  }
0x46: {  	_ =	shalt  }
0x47: {  	_ =	shalt  }
0x48: {  	_ =	shalt  }
0x49: {  	_ =	shalt  }
0x4a: {  	_ =	shalt  }
0x4b: {  	_ =	shalt  }
0x4c: {  	_ =	shalt  }
0x4d: {  	_ =	shalt  }
0x4e: {  	_ =	shalt  }
0x4f: {  	_ =	shalt  }
0x50: {  	_ =	shalt  }
0x51: {  	_ =	shalt  }
0x52: {  	_ =	shalt  }
0x53: {  	_ =	shalt  }
0x54: {  	_ =	shalt  }
0x55: {  	_ =	shalt  }
0x56: {  	_ =	shalt  }
0x57: {  	_ =	shalt  }
0x58: {  	_ =	shalt  }
0x59: {  	_ =	shalt  }
0x5a: {  	_ =	shalt  }
0x5b: {  	_ =	shalt  }
0x5c: {  	_ =	shalt  }
0x5d: {  	_ =	shalt  }
0x5e: {  	_ =	shalt  }
0x5f: {  	_ =	shalt  }
0x60: {  	_ =	shalt  }
0x61: {  	_ =	shalt  }
0x62: {  	_ =	shalt  }
0x63: {  	_ =	shalt  }
0x64: {  	_ =	shalt  }
0x65: {  	_ =	shalt  }
0x66: {  	_ =	shalt  }
0x67: {  	_ =	shalt  }
0x68: {  	_ =	shalt  }
0x69: {  	_ =	shalt  }
0x6a: {  	_ =	shalt  }
0x6b: {  	_ =	shalt  }
0x6c: {  	_ =	shalt  }
0x6d: {  	_ =	shalt  }
0x6e: {  	_ =	shalt  }
0x6f: {  	_ =	shalt  }
0x70: {  	_ =	shalt  }
0x71: {  	_ =	shalt  }
0x72: {  	_ =	shalt  }
0x73: {  	_ =	shalt  }
0x74: {  	_ =	shalt  }
0x75: {  	_ =	shalt  }
0x76: {  	_ =	shalt  }
0x77: {  	_ =	shalt  }
0x78: {  	_ =	shalt  }
0x79: {  	_ =	shalt  }
0x7a: {  	_ =	shalt  }
0x7b: {  	_ =	shalt  }
0x7c: {  	_ =	shalt  }
0x7d: {  	_ =	shalt  }
0x7e: {  	_ =	shalt  }
0x7f: {  	_ =	shalt  }
0x80: {  	_ =	shalt  }
0x81: {  	_ =	shalt  }
0x82: {  	_ =	shalt  }
0x83: {  	_ =	shalt  }
0x84: {  	_ =	shalt  }
0x85: {  	_ =	shalt  }
0x86: {  	_ =	shalt  }
0x87: {  	_ =	shalt  }
.Lfunc_end0:
.L_simem_size_0:
called_computation_lowered:
.L_overlay_start_0:
0x88: {  	s2 =	sld [smem:$0x3FD9]  }
0x89: {  	s3 =	sld [smem:$0x3FFE];
	_ =	sdelay $0x1  }
0x8a: {  	s1 =	srdreg.scid  }
0x8b: {  	s0 =	sand.u32 $0x1, s1  }
0x8c: {  	s17 =	sshll.u32 s0, $0xA;
	s2 =	sadd.s32 s3, s2  }
0x8d: {  	s2 =	sadd.s32 s2, s17  }
0x8e: {  	[smem:$0x3FBE] =	sst s2  }
0x8f: {  	_ = 	snop  }
0x90: {  	s2 =	sld [smem:$0x3FD0];
	(tm) =	ssettm $0x1  }
0x91: {  	s18 =	sld [smem:$0x3FFB];
	_ =	sdelay $0x3  }
0x92: {  	_ =	strace s18  }
0x93: {  	s3 =	sld [smem:$0x3FFC];
	_ =	sdelay $0x3  }
0x94: {  	_ =	strace s3  }
0x95: {  	s3 =	sld [smem:$0x3FFD];
	_ =	sdelay $0x3  }
0x96: {  	_ =	strace s3  }
0x97: {  	_ =	strace $0x8FFFFFFF  }
0x98: {  	s19 =	sld [smem:$0x3FDB];
	_ =	sdelay $0x1  }
0x99: {  	s4 =	simm.s32 $_scs_section_size  }
0x9a: {  	s5 =	simm.s32 $_size__tile_overlayer_lowered;
	s6 =	simm.s32 $_tile_overlayer_lowered  }
0x9b: {  	s22 =	simm.s32 $0x1BFF;
	s21 =	sshll.u32 s6, $0x1;
	s3 =	sadd.s32 s4, s19  }
0x9c: {  	s7 =	simm.s32 $0x0;
	s20 =	sshll.u32 s5, $0x1;
	s5 =	sadd.s32 s21, s3  }
0x9d: {  	[timem:s7], [sflag:s22] =	dma.local [hbm:s5], s20  }
0x9e: {  	_ =	swait.ge [sflag:s22], s20  }
0x9f: {  	s4 =	ssub.s32 $0x0, s20;
	[sflag:s22] =	ssyncset.done $0x0  }
0xa0: {  	[sflag:s22] =	ssyncadd.s32 s4;
	_ =	sdelay $0x1  }
0xa1: {  	s23 =	simm.s32 $0x1B8B  }
0xa2: {  	_ =	swait.ge [sflag:s23], $0x1  }
0xa3: {  	[sflag:s23] =	ssyncset.done $0x0  }
0xa4: {  	s25 =	simm.s32 $0x1B8E;
	s24 =	sld [smem:$0x3FFE];
	[sflag:s23] =	ssyncadd.s32 $0xFFFFFFFF  }
0xa5: {  	s26 =	simm.s32 $execute0_lowered;
	[smem:$0x3FD2] =	sst s25  }
0xa6: {  	s5 =	sshll.u32 s26, $0x1;
	_ =	strace $0x80000046;
	[dreg:$0x1] =	wrdreg $0xFFFFFFFF  }
0xa7: {  	s28 =	simm.s32 $_size_execute0_lowered;
	s3 =	sadd.s32 s3, s5;
	[dreg:$0x0] =	wrdreg $0x0  }
0xa8: {  	s5 =	sshll.u32 s28, $0x1;
	[dreg:$0x2] =	wrdreg s3  }
0xa9: {  	[dreg:$0x3] =	wrdreg s5  }
0xaa: {  	[dreg:$0x4] =	wrdreg $0xC0  }
0xab: {  	_ =	task [dreg:s7], $0x5FFFF  }
0xac: {  	[dreg:$0x1] =	wrdreg $0xFFFFFFFF  }
0xad: {  	[dreg:$0x0] =	wrdreg $0x60  }
0xae: {  	[dreg:$0x2] =	wrdreg s2  }
0xaf: {  	[dreg:$0x3] =	wrdreg s24  }
0xb0: {  	[dreg:$0x4] =	wrdreg $0x1AF900  }
0xb1: {  	[dreg:$0x5] =	wrdreg $0x187900  }
0xb2: {  	[dreg:$0x6] =	wrdreg $0x9  }
0xb3: {  	_ =	task.clear_ibuf [dreg:s7], $0x7FFFF;
	_ =	strace $0x90000046  }
0xb4: {  	s29 =	simm.s32 $0x9;
	_ =	strace $0x80000048  }
0xb5: {  	_ =	swait.ge [sflag:s29], $0x1  }
0xb6: {  	[sflag:s29] =	ssyncadd.s32 $0xFFFFFFFF  }
0xb7: {  	_ =	strace $0x90000048  }
0xb8: {  	_ =	sfence  }
0xb9: {  	s30 =	sld [smem:$0x0];
	_ =	sdelay $0x2  }
0xba: {  	s31 =	sshll.u32 s1, $0xD;
	s1 =	sshrl.u32 s1, $0x2  }
0xbb: {  	s3 =	sand.u32 $0x4000, s31;
	s1 =	sadd.s32 s1, s30  }
0xbc: {  	s0 =	sor.u32 s3, s0;
	s1 =	sshll.u32 s1, $0x11  }
0xbd: {  	s0 =	sor.u32 s1, s0  }
0xbe: {  	s0 =	sadd.s32 $0x8F2B, s0  }
0xbf: {  	[sflag:s0] =	ssyncadd.remote.s32 $0x1  }
0xc0: {  	_ =	sfence.sel $0xFFFF  }
0xc1: {  	[dreg:$0x0] =	wrdreg $0xFFFFFFFF;
	(pc) =	sbr.abs _section_cstart, $3  }
0xc2: {  	[dreg:$0x1] =	wrdreg $0xFFFFFFFF  }
0xc3: {  	_ =	task.clear_ibuf [dreg:s7], $0x2FFFF;
	_ =	strace $0x9FFFFFFF  }
0xc4: {  	(tm) =	ssettm $0x7FFFFFFF  }
0xc5: {  	_ =	shalt  }
tec
execute0_lowered:
.L_overlay_start_1:
0x0: {  	(tag) =	ssettag $0x1  }
0x1: {  	s10 =	rddreg [dreg:$0x0]  }
0x2: {  	s6 =	rddreg [dreg:$0x1]  }
0x3: {  	s2 =	rddreg [dreg:$0x2]  }
0x4: {  	s0 =	srdreg.scid;
	s3 =	rddreg [dreg:$0x3]  }
0x5: {  	s1 =	stileid.u32;
	s4 =	simm.s32 $0x0;
	s15 =	simm.s32 $0x15F90  }
0x6: {  	s16 =	simm.s32 $0x4;
	s17 =	simm.s32 $0x2;
	s18 =	simm.s32 $0x3  }
0x7: {  	s19 =	simm.s32 $0x2710;
	s14 =	sand.u32 $0x1, s0;
	s0 =	rddreg [dreg:$0x4]  }
0x8: {  	s20 =	simm.s32 $0x1;
	s21 =	simm.s32 $0x0;
	[smem:$0x7FF] =	sst s4  }
0x9: {  	s12 =	smul.u32 $0x2800, s1;
	s5 =	sshll.u32 s14, $0x4;
	_ =	strace $0x80000047  }
0xa: {  	s7 =	ssub.s32 $0x2, s14;
	p0 =	seq.s32 s14, $0x0;
	s14 =	simm.s32 $0x1388  }
.Ltmp0:
0xb: {  	s5 =	sor.u32 s1, s5;
	s8 =	sshrl.u32 s7, $0x1;
	(pc) =	sbr.rel .LBB2_1-.Ltmp0, $4  }
0xc: {  	s5 =	smul.u32 $0x271, s5;
	s13 =	ssub.s32 s7, s8;
	s7 =	sshrl.u32 s12, $0x3  }
0xd: {  	s11 =	sadd.s32 s12, s2;
	s12 =	sadd.s32 s12, s3;
	s10 =	sadd.s32 s10, s7  }
0xe: {  	s13 =	smax.u32 s13, $0x1;
	s9 =	sadd.s32 s5, s6;
	s5 =	sadd.s32 $0xD800, s6  }
0xf: {  	v0 =	vimm.f32 $0.0e+00;
	s6 =	sadd.s32 $0x12800, s6;
	s8 =	sadd.s32 $0x8800, s9;
	s9 =	sadd.s32 $0x3800, s9  }
.LBB2_4:
0x10: {  	[tilespmem:s23+$0x15F90] =	vst v0;
	s22 =	smov.u32 s6  }
.LBB2_5:
0x11: {  	[spmem:s12] =	stream.linear.scatter [tilespmem:s15], [sflag:$0x4], $0x2800, $0x38;
	[tilespmem:$0x1D790] =	vst v63  }
0x12: {  	_ =	swait.ge [sflag:s16], $0x2800  }
0x13: {  	[sflag:s16] =	ssyncset.done $0x0  }
0x14: {  	[sflag:s16] =	ssyncadd.s32 $0xFFFFD800  }
0x15: {  	_ =	swait.ge [sflag:s17], $0x1388  }
0x16: {  	[sflag:s17] =	ssyncset.done $0x0  }
0x17: {  	[sflag:s17] =	ssyncadd.s32 $0xFFFFEC78  }
0x18: {  	_ =	swait.ge [sflag:s18], $0x1388  }
0x19: {  	[sflag:s18] =	ssyncset.done $0x0  }
0x1a: {  	[sflag:s18] =	ssyncadd.s32 $0xFFFFEC78  }
0x1b: {  	[bflag:$0x0] =	sbarrier.arrive $0xFFFF  }
0x1c: {  	[tilespmem:s19], [sflag:$0x1] =	stream.indirect.gather [spmem:s2], $0x10, s4, s14, $0xb8;
	[tilespmem:$0x1D790] =	vst v63  }
0x1d: {  	_ =	swait.ge [sflag:s20], $0x13880  }
0x1e: {  	[sflag:s20] =	ssyncset.done $0x0  }
0x1f: {  	[sflag:s20] =	ssyncadd.s32 $0xFFFEC780  }
0x20: {  	[spmem:s3] =	stream.indirect.scatter.add.f32 [tilespmem:s19], [sflag:$0x4], $0x10, s14, s14, $0xb8;
	[tilespmem:$0x1D790] =	vst v63  }
0x21: {  	_ =	swait.ge [sflag:s16], $0x13880  }
0x22: {  	[sflag:s16] =	ssyncset.done $0x0  }
0x23: {  	[sflag:s16] =	ssyncadd.s32 $0xFFFEC780  }
0x24: {  	[bflag:$0x0] =	sbarrier.arrive $0xFFFF  }
0x25: {  	[tilespmem:s15], [sflag:$0x4] =	stream.linear.gather [spmem:s12], $0x2800, $0x38;
	[tilespmem:$0x1D790] =	vst v63  }
0x26: {  	s21 =	sadd.s32 $0x1, s21;
	_ =	swait.ge [sflag:s16], $0x2800  }
0x27: {  	p1 =	sne.s32 s21, s13;
	[sflag:s16] =	ssyncset.done $0x0  }
.Ltmp1:
0x28: {  	s22 =	sadd.s32 s22, s7;
	[sflag:s16] =	ssyncadd.s32 $0xFFFFD800;
	(pc) =	sbr.rel @!p1 .LBB2_6-.Ltmp1, $4  }
0x29: {  	[hbm4b:s22+s4] =	stream.linear.scatter [tilespmem:s15], [sflag:$0x4], $0x2800, $0x38;
	[tilespmem:$0x1D790] =	vst v63  }
0x2a: {  	_ =	swait.ge [sflag:s16], $0x2800  }
0x2b: {  	[sflag:s16] =	ssyncset.done $0x0  }
0x2c: {  	[sflag:s16] =	ssyncadd.s32 $0xFFFFD800  }
.LBB2_1:
0x2d: {  	[tilespmem:s4], [sflag:$0x2] =	stream.linear.gather [hbm4b:s8+s4], $0x1388, $0x38;
	[tilespmem:$0x1D790] =	vst v63  }
0x2e: {  	_ = 	snop  }
0x2f: {  	[tilespmem:s14], [sflag:$0x3] =	stream.linear.gather [hbm4b:s9+s4], $0x1388, $0x38;
	[tilespmem:$0x1D790] =	vst v63  }
0x30: {  	_ = 	snop  }
0x31: {  	[tilespmem:s15], [sflag:$0x4] =	stream.linear.gather [hbm4b:s10+s4], $0x2800, $0x38;
	[tilespmem:$0x1D790] =	vst v63  }
0x32: {  	_ =	swait.ge [sflag:s16], $0x2800  }
0x33: {  	[sflag:s16] =	ssyncset.done $0x0  }
.Ltmp2:
0x34: {  	[sflag:s16] =	ssyncadd.s32 $0xFFFFD800;
	(pc) =	sbr.rel @p0 .LBB2_5-.Ltmp2, $4  }
0x35: {  	[spmem:s11] =	stream.linear.scatter [tilespmem:s15], [sflag:$0x4], $0x2800, $0x38;
	[tilespmem:$0x1D790] =	vst v63  }
0x36: {  	_ =	swait.ge [sflag:s16], $0x2800  }
0x37: {  	[sflag:s16] =	ssyncset.done $0x0  }
0x38: {  	s22 =	smov.u32 s5;
	[sflag:s16] =	ssyncadd.s32 $0xFFFFD800  }
0x39: {  	s22 =	simm.s32 $0x40;
	s23 =	simm.s32 $0x0  }
.LBB2_3:
0x3a: {  	p1 =	sne.s32 s22, $0x9FC0;
	[tilespmem:s23+$0x15F90] =	vst v0;
	s23 =	smov.u32 s22;
	s22 =	sadd.s32 $0x40, s22  }
.Ltmp3:
0x3b: {  	(pc) =	sbr.rel @p1 .LBB2_3-.Ltmp3, $2  }
0x3c: {  	_ =	sdelay $0x2  }
0x3d: {  	s23 =	sshra.s32 s23, $0x2  }
.Ltmp4:
0x3e: {  	_ = 	snop;
	(pc) =	sbr.rel .LBB2_4-.Ltmp4, $1  }
0x3f: {  	_ =	sdelay $0x3  }
.LBB2_6:
0x40: {  	_ =	sfence.sel $0x180000  }
0x41: {  	[bflag:$0x0] =	sbarrier.arrive $0xFFFF  }
0x42: {  	p0 =	sne.s32 s1, $0x0;
	_ =	strace $0x90000047  }
0x43: {  	s0 =	sadd.s32 @!p0 $0x100000, s0;
	[bflag:$0x2] =	sbarrier.arrive $0xFFFF  }
0x44: {  	[sflag:s0] =	ssyncadd.tile.s32 @!p0 $0x1;
	_ =	shalt  }
.Lfunc_end2:
_tile_overlayer_lowered:
.L_overlay_start_2:
0x45: {  	(tag) =	ssettag $0x2  }
0x46: {  	s0 =	rddreg [dreg:$0x0];
	s2 =	stileid.u32  }
0x47: {  	s1 =	rddreg [dreg:$0x1];
	p0 =	sne.s32 s2, $0x0  }
0x48: {  	s3 =	rddreg [dreg:$0x2];
	[bflag:$0x3] =	sbarrier.arrive $0xFFFF;
	s2 =	simm.s32 @!p0 $0x1C04  }
0x49: {  	[timem:s3], [sflag:s2] =	dma.local @!p0 [hbm:s0], s1  }
0x4a: {  	s0 =	simm.s32 @!p0 $0x4  }
0x4b: {  	_ =	swait.ge @!p0 [sflag:s0], s1  }
0x4c: {  	s1 =	ssub.s32 @!p0 $0x0, s1;
	[sflag:s0] =	ssyncset.done @!p0 $0x0  }
0x4d: {  	[sflag:s0] =	ssyncadd.s32 @!p0 s1  }
0x4e: {  	[bflag:$0x3] =	sbarrier.arrive $0xFFFF  }
0x4f: {  	_ =	shalt  }

</sc_bundles>
